<compile_context>
chip_gen: v7x
topology: tpu7x:2x2x1
jax: 0.10.2.dev20260603
libtpu: 0.0.44.dev20260713+nightly
codegen_flags: <defaults>
</compile_context>

<pallas_src>
import functools

import jax
import jax.numpy as jnp
from jax import lax
from jax.experimental import pallas as pl
from jax.experimental.pallas import tpu as pltpu
from jax.experimental.pallas import tpu_sc as plsc

_NC = 2
_NS = 16
_NW = _NC * _NS
_CH = 128
_BE = 1024
_D_IN = 128
_D_SH = 4
_D_Q = 80
_D_OUT = 128
_SLOW_CID = 1


def _prep_body(na_ref, wq_ref, wk_ref, wdot_ref, q_ref, wkd_ref):
    q_ref[...] = jnp.dot(na_ref[...], wq_ref[...],
                         preferred_element_type=jnp.float32)
    wkd_ref[...] = lax.dot_general(
        wk_ref[...], wdot_ref[...], (((1,), (1,)), ((), ())),
        preferred_element_type=jnp.float32)


def _dense_body(e_real, feat_ref, qd_ref, ea_ref, sh_ref, dstm_ref, w1_ref,
                b1_ref, w2k_ref, w2v_ref, wkd_ref, wv_ref, o1_ref, o2_ref):
    b = feat_ref.shape[0]
    h = jnp.maximum(
        jnp.dot(ea_ref[...], w1_ref[...], preferred_element_type=jnp.float32)
        + b1_ref[...], 0.0)
    hb = h.astype(jnp.bfloat16)
    wk = jnp.dot(hb[:, :64], w2k_ref[...].astype(jnp.bfloat16),
                 preferred_element_type=jnp.float32)
    wv = jnp.dot(hb[:, 64:], w2v_ref[...].astype(jnp.bfloat16),
                 preferred_element_type=jnp.float32)
    f = feat_ref[...]
    sh = sh_ref[...]
    tp = jnp.concatenate([f * sh[:, s:s + 1] for s in range(_D_SH)], axis=1)
    kd = jnp.dot((tp * wk).astype(jnp.bfloat16),
                 wkd_ref[...].astype(jnp.bfloat16),
                 preferred_element_type=jnp.float32)
    v = jnp.dot((tp * wv).astype(jnp.bfloat16),
                wv_ref[...].astype(jnp.bfloat16),
                preferred_element_type=jnp.float32)
    alpha = jnp.sum(qd_ref[...] * kd, axis=1, keepdims=True) * (_D_Q ** -0.5)
    rows = lax.broadcasted_iota(jnp.int32, (b, 1), 0) + pl.program_id(0) * b
    ealpha = jnp.where(rows < e_real, jnp.exp(alpha), 0.0)
    o1_ref[...] = ealpha * v
    lanes = lax.broadcasted_iota(jnp.int32, (b, _D_OUT), 1)
    o2_ref[...] = jnp.where(lanes == dstm_ref[...], ealpha, 0.0)


def _fin_body(p1_ref, p2_ref, o_ref):
    num = p1_ref[0] + p1_ref[1]
    den = p2_ref[0] + p2_ref[1]
    safe = jnp.where(den > 0.0, den, 1.0)
    o_ref[...] = jnp.where(den > 0.0, num / safe, 0.0)


def _sc_gather(node_attr, q, src2d, dst2d, e_pad):
    n_ch = e_pad // (_NW * _CH)
    total_ch = e_pad // _CH
    n_slow = total_ch // (2 * _NS)
    n_fast = total_ch // _NS - n_slow
    mesh = plsc.VectorSubcoreMesh(core_axis_name="c", subcore_axis_name="s",
                                  num_cores=_NC, num_subcores=_NS)

    @functools.partial(
        pl.kernel,
        out_type=(jax.ShapeDtypeStruct((e_pad, _D_IN), jnp.float32),
                  jax.ShapeDtypeStruct((e_pad, _D_IN), jnp.float32)),
        mesh=mesh,
        scratch_types=(pltpu.VMEM((n_fast, _CH), jnp.int32),
                       pltpu.VMEM((n_fast, _CH), jnp.int32),
                       pltpu.VMEM((2, _CH, _D_IN), jnp.float32),
                       pltpu.VMEM((2, _CH, _D_IN), jnp.float32),
                       pltpu.SemaphoreType.DMA((2,)),
                       pltpu.SemaphoreType.DMA((2,)),
                       pltpu.SemaphoreType.DMA((2,)),
                       pltpu.SemaphoreType.DMA((2,))),
    )
    def gather_k(node_hbm, q_hbm, src_hbm, dst_hbm, feat_out, qd_out,
                 src_v, dst_v, fbuf, qbuf, sfg, sfw, sqg, sqw):
        cid = lax.axis_index("c")
        sid = lax.axis_index("s")
        my_n = jnp.where(cid == _SLOW_CID, n_slow, n_fast)
        ch0 = jnp.where(cid == _SLOW_CID, sid * n_slow,
                        _NS * n_slow + sid * n_fast)
        pltpu.sync_copy(src_hbm.at[pl.ds(ch0, my_n)], src_v.at[pl.ds(0, my_n)])
        pltpu.sync_copy(dst_hbm.at[pl.ds(ch0, my_n)], dst_v.at[pl.ds(0, my_n)])

        def g_wait(b):
            pltpu.make_async_copy(node_hbm.at[pl.ds(0, _CH)], fbuf.at[b],
                                  sfg.at[b]).wait()
            pltpu.make_async_copy(q_hbm.at[pl.ds(0, _CH)], qbuf.at[b],
                                  sqg.at[b]).wait()

        def w_wait(b):
            pltpu.make_async_copy(fbuf.at[b], feat_out.at[pl.ds(0, _CH)],
                                  sfw.at[b]).wait()
            pltpu.make_async_copy(qbuf.at[b], qd_out.at[pl.ds(0, _CH)],
                                  sqw.at[b]).wait()

        def g_start(b, j):
            pltpu.async_copy(node_hbm.at[src_v.at[j]], fbuf.at[b], sfg.at[b])
            pltpu.async_copy(q_hbm.at[dst_v.at[j]], qbuf.at[b], sqg.at[b])

        def w_start(b, j):
            row = ch0 + j
            pltpu.async_copy(fbuf.at[b], feat_out.at[pl.ds(row * _CH, _CH)],
                             sfw.at[b])
            pltpu.async_copy(qbuf.at[b], qd_out.at[pl.ds(row * _CH, _CH)],
                             sqw.at[b])

        for b in range(2):
            g_start(b, b)

        def body(j2, carry):
            j = j2 * 2
            for b in range(2):
                g_wait(b)
                w_start(b, j + b)
            for b in range(2):
                w_wait(b)
                g_start(b, j + b + 2)
            return carry

        lax.fori_loop(0, (my_n - 2) // 2, body, 0)
        jlast = my_n - 2
        for b in range(2):
            g_wait(b)
            w_start(b, jlast + b)
        for b in range(2):
            w_wait(b)

    return gather_k(node_attr, q, src2d, dst2d)


def _sc_scatter(rows1_in, rows2_in, dst2d, dsthi2d, z1, z2, e_pad):
    n = z1.shape[0]
    nhi = z2.shape[0]
    n_ch = e_pad // (_NW * _CH)
    stripe = n // _NS
    stripe2 = nhi // _NS
    mesh = plsc.VectorSubcoreMesh(core_axis_name="c", subcore_axis_name="s",
                                  num_cores=_NC, num_subcores=_NS)

    @functools.partial(
        pl.kernel,
        out_type=(jax.ShapeDtypeStruct((_NC, n, _D_OUT), jnp.float32),
                  jax.ShapeDtypeStruct((_NC, nhi, _D_OUT), jnp.float32)),
        mesh=mesh,
        scratch_types=(pltpu.VMEM((e_pad // (_NW * _CH), _CH), jnp.int32),
                       pltpu.VMEM((e_pad // (_NW * _CH), _CH), jnp.int32),
                       pltpu.VMEM((_CH, _D_OUT), jnp.float32),
                       pltpu.VMEM((_CH, _D_OUT), jnp.float32),
                       pltpu.VMEM_SHARED((n, _D_OUT), jnp.float32),
                       pltpu.VMEM_SHARED((nhi, _D_OUT), jnp.float32)),
    )
    def scatter_k(rows1_hbm, rows2_hbm, dst_hbm, dsthi_hbm, z1_hbm, z2_hbm,
                  p1_out, p2_out, dst_v, dsthi_v, rbuf1, rbuf2, acc1, acc2):
        cid = lax.axis_index("c")
        sid = lax.axis_index("s")
        wid = sid * _NC + cid
        ch0 = wid * n_ch
        pltpu.sync_copy(dst_hbm.at[pl.ds(ch0, n_ch)], dst_v)
        pltpu.sync_copy(dsthi_hbm.at[pl.ds(ch0, n_ch)], dsthi_v)
        pltpu.sync_copy(z1_hbm.at[pl.ds(sid * stripe, stripe)],
                        acc1.at[pl.ds(sid * stripe, stripe)])
        pltpu.sync_copy(z2_hbm.at[pl.ds(sid * stripe2, stripe2)],
                        acc2.at[pl.ds(sid * stripe2, stripe2)])
        plsc.subcore_barrier()

        def body(j, carry):
            row = ch0 + j
            pltpu.sync_copy(rows1_hbm.at[pl.ds(row * _CH, _CH)], rbuf1)
            pltpu.sync_copy(rows2_hbm.at[pl.ds(row * _CH, _CH)], rbuf2)
            pltpu.sync_copy(rbuf1, acc1.at[dst_v.at[j]], add=True)
            pltpu.sync_copy(rbuf2, acc2.at[dsthi_v.at[j]], add=True)
            return carry

        lax.fori_loop(0, n_ch, body, 0)
        plsc.subcore_barrier()
        pltpu.sync_copy(acc1.at[pl.ds(sid * stripe, stripe)],
                        p1_out.at[cid, pl.ds(sid * stripe, stripe)])
        pltpu.sync_copy(acc2.at[pl.ds(sid * stripe2, stripe2)],
                        p2_out.at[cid, pl.ds(sid * stripe2, stripe2)])

    return scatter_k(rows1_in, rows2_in, dst2d, dsthi2d, z1, z2)


def _tc_prep(node_attr, wq, wk, wdot):
    n = node_attr.shape[0]
    return pl.pallas_call(
        _prep_body,
        out_shape=(jax.ShapeDtypeStruct((n, _D_IN), jnp.float32),
                   jax.ShapeDtypeStruct((_D_IN * _D_SH, _D_Q), jnp.float32)),
    )(node_attr, wq, wk, wdot)


def _tc_dense(feat, qd, ea, sh, dstm, w1, b1, w2k, w2v, wkd, wv, e_real,
              e_pad):
    grid = e_pad // _BE
    full = lambda shape: pl.BlockSpec(shape, lambda i: (0, 0))
    return pl.pallas_call(
        functools.partial(_dense_body, e_real),
        grid=(grid,),
        in_specs=[
            pl.BlockSpec((_BE, _D_IN), lambda i: (i, 0)),
            pl.BlockSpec((_BE, _D_IN), lambda i: (i, 0)),
            pl.BlockSpec((_BE, 16), lambda i: (i, 0)),
            pl.BlockSpec((_BE, _D_SH), lambda i: (i, 0)),
            pl.BlockSpec((_BE, 1), lambda i: (i, 0)),
            full((16, 128)),
            full((1, 128)),
            full((64, 512)),
            full((64, 512)),
            full((512, _D_IN)),
            full((512, _D_OUT)),
        ],
        out_specs=(pl.BlockSpec((_BE, _D_OUT), lambda i: (i, 0)),
                   pl.BlockSpec((_BE, _D_OUT), lambda i: (i, 0))),
        out_shape=(jax.ShapeDtypeStruct((e_pad, _D_OUT), jnp.float32),
                   jax.ShapeDtypeStruct((e_pad, _D_OUT), jnp.float32)),
    )(feat, qd, ea, sh, dstm, w1, b1, w2k, w2v, wkd, wv)


def _tc_finalize(p1, p2):
    n = p1.shape[1]
    bn = 632 if n % 632 == 0 else n
    return pl.pallas_call(
        _fin_body,
        grid=(n // bn,),
        in_specs=[pl.BlockSpec((_NC, bn, _D_OUT), lambda i: (0, i, 0)),
                  pl.BlockSpec((_NC, bn, 1), lambda i: (0, i, 0))],
        out_specs=pl.BlockSpec((bn, _D_OUT), lambda i: (i, 0)),
        out_shape=jax.ShapeDtypeStruct((n, _D_OUT), jnp.float32),
    )(p1, p2)


def kernel(node_attr, edge_index, edge_attr, edge_sh,
           Wq, W1k, b1k, W2k, Wk, W1v, b1v, W2v, Wv, Wdot):
    n = node_attr.shape[0]
    e = edge_index.shape[1]
    align = _NW * _CH
    e_pad = ((e + align - 1) // align) * align
    if e_pad % _BE:
        e_pad = ((e_pad + _BE - 1) // _BE) * _BE
    pad = e_pad - e

    src2d = jnp.pad(edge_index[0], (0, pad)).reshape(-1, _CH)
    dst2d = jnp.pad(edge_index[1], (0, pad)).reshape(-1, _CH)
    ea = jnp.pad(edge_attr, ((0, pad), (0, 0)))
    sh = jnp.pad(edge_sh, ((0, pad), (0, 0)))

    wq_pad = jnp.pad(Wq, ((0, 0), (0, _D_IN - _D_Q)))
    w1 = jnp.concatenate([W1k, W1v], axis=1)
    b1 = jnp.concatenate([b1k, b1v])[None, :]
    w2k = W2k.reshape(64, _D_IN, _D_SH).transpose(0, 2, 1).reshape(64, 512)
    w2v = W2v.reshape(64, _D_IN, _D_SH).transpose(0, 2, 1).reshape(64, 512)
    wvp = Wv.reshape(_D_IN, _D_SH, _D_OUT).transpose(1, 0, 2).reshape(512, _D_OUT)

    n_pad = ((n + _NS * 8 - 1) // (_NS * 8)) * (_NS * 8)

    q, wkd = _tc_prep(node_attr, wq_pad, Wk, Wdot)
    wkdp = wkd.reshape(_D_IN, _D_SH, _D_Q).transpose(1, 0, 2).reshape(512, _D_Q)
    wkdp = jnp.pad(wkdp, ((0, 0), (0, _D_IN - _D_Q)))

    feat, qd = _sc_gather(node_attr, q, src2d, dst2d, e_pad)
    dst_flat = dst2d.reshape(-1)
    dstm = (dst_flat % _D_OUT).astype(jnp.int32)[:, None]
    dsthi2d = (dst_flat // _D_OUT).astype(jnp.int32).reshape(-1, _CH)
    rows1, rows2 = _tc_dense(feat, qd, ea, sh, dstm, w1, b1, w2k, w2v,
                             wkdp, wvp, e, e_pad)
    nhi = ((n_pad // _D_OUT + _NS * 8 - 1) // (_NS * 8)) * (_NS * 8)
    z1 = jnp.zeros((n_pad, _D_OUT), jnp.float32)
    z2 = jnp.zeros((nhi, _D_OUT), jnp.float32)
    p1, p2 = _sc_scatter(rows1, rows2, dst2d, dsthi2d, z1, z2, e_pad)
    den = p2.reshape(_NC, -1, 1)[:, :n_pad]
    return _tc_finalize(p1, den)[:n]

# --- scband reference (transcript-rebuilt; emitter-appended) ---
"""Pipeline reference for scband-attention-38225208934674 (READ-ONLY COPY).

The authoritative reference and input builder live on the scoring server;
editing this copy changes nothing except your own understanding.
"""

import jax, jax.numpy as jnp
import numpy as np

N = 10000
E = 160000
D_IN = 128   # irreps_in dim (32x0e + 32x1o)
D_SH = 4     # irreps_sh dim (1x0e + 1x1o)
D_Q = 80     # irreps_query dim (32x0e + 16x1o)
D_K = 80     # irreps_key dim
D_OUT = 128  # irreps_out dim
D_EDGE = 16  # scalar edge attrs fed to radial MLP
H = 64       # radial MLP hidden width


def setup_inputs(seed: int = 0) -> dict:
    key = jax.random.key(seed)
    ks = jax.random.split(key, 16)
    inp = {
        'node_attr': jax.random.normal(ks[0], (N, D_IN), dtype=jnp.float32),
        'edge_index': jax.random.randint(ks[1], (2, E), 0, N, dtype=jnp.int32),
        'edge_attr': jax.random.normal(ks[2], (E, D_EDGE), dtype=jnp.float32),
        'edge_sh': jax.random.normal(ks[3], (E, D_SH), dtype=jnp.float32),
        # h_q equivariant linear
        'Wq': jax.random.normal(ks[4], (D_IN, D_Q), dtype=jnp.float32) * 0.05,
        # h_k conv: radial MLP on edge_attr -> per-path tensor-product weights, then linear to key irreps
        'W1k': jax.random.normal(ks[5], (D_EDGE, H), dtype=jnp.float32) * 0.1,
        'b1k': jnp.zeros((H,), dtype=jnp.float32),
        'W2k': jax.random.normal(ks[6], (H, D_IN * D_SH), dtype=jnp.float32) * 0.05,
        'Wk': jax.random.normal(ks[7], (D_IN * D_SH, D_K), dtype=jnp.float32) * 0.05,
        # h_v conv
        'W1v': jax.random.normal(ks[8], (D_EDGE, H), dtype=jnp.float32) * 0.1,
        'b1v': jnp.zeros((H,), dtype=jnp.float32),
        'W2v': jax.random.normal(ks[9], (H, D_IN * D_SH), dtype=jnp.float32) * 0.05,
        'Wv': jax.random.normal(ks[10], (D_IN * D_SH, D_OUT), dtype=jnp.float32) * 0.05,
        # dot: FullyConnectedTensorProduct(query, key) -> 0e scalar
        'Wdot': jax.random.normal(ks[11], (D_Q, D_K), dtype=jnp.float32) * 0.05,
    }
    return inp


def _conv_per_edge(feat_src, edge_attr, edge_sh, W1, b1, W2, Wout):
    # tensor product of source node features with edge spherical harmonics,
    # path weights produced by a radial MLP on scalar edge attributes
    e = feat_src.shape[0]
    tp = (feat_src[:, :, None] * edge_sh[:, None, :]).reshape(e, -1)  # [E, D_IN*D_SH]
    w = jax.nn.relu(edge_attr @ W1 + b1) @ W2                          # [E, D_IN*D_SH]
    return (tp * w) @ Wout


def reference(node_attr, edge_index, edge_attr, edge_sh,
              Wq, W1k, b1k, W2k, Wk, W1v, b1v, W2v, Wv, Wdot):
    n = node_attr.shape[0]
    src = edge_index[0]
    dst = edge_index[1]
    # q = h_q(node_attr)
    q = node_attr @ Wq                                   # [N, D_Q]
    # k = h_k.apply_per_edge(node_attr[src], edge_attr, edge_sh)
    feat = jnp.take(node_attr, src, axis=0)              # gather [E, D_IN]
    k = _conv_per_edge(feat, edge_attr, edge_sh, W1k, b1k, W2k, Wk)  # [E, D_K]
    # v = h_v.apply_per_edge(...)
    v = _conv_per_edge(feat, edge_attr, edge_sh, W1v, b1v, W2v, Wv)  # [E, D_OUT]
    # alpha = dot(q[dst], k) -> scalar 0e per edge
    qd = jnp.take(q, dst, axis=0)                        # [E, D_Q]
    alpha = jnp.einsum('eq,ek,qk->e', qd, k, Wdot)[:, None] / jnp.sqrt(float(D_Q))  # [E, 1]
    # scatter_softmax over incoming edges of each dst node
    m = jax.ops.segment_max(alpha, dst, num_segments=n)  # [N, 1]
    m = jnp.where(jnp.isfinite(m), m, 0.0)
    a = jnp.exp(alpha - jax.lax.stop_gradient(m)[dst])
    denom = jax.ops.segment_sum(a, dst, num_segments=n)  # [N, 1]
    a = a / (jnp.take(denom, dst, axis=0) + 1e-9)        # [E, 1]
    # out = scatter-sum(alpha * v, dst)
    out = jax.ops.segment_sum(a * v, dst, num_segments=n)  # [N, D_OUT]
    return out

if __name__ == "__main__":
    import jax
    _d = setup_inputs()
    print(jax.jit(kernel)(*tuple(_d.values())))

</pallas_src>

<mosaic_0001>
#map = affine_map<(d0, d1) -> (0, 0)>
module attributes {stable_mosaic.version = 14 : i64} {
  func.func @gather_k(%arg0: i32, %arg1: i32, %arg2: memref<10000x128xf32, #tpu.memory_space<hbm>>, %arg3: memref<10000x128xf32, #tpu.memory_space<hbm>>, %arg4: memref<1280x128xi32, #tpu.memory_space<hbm>>, %arg5: memref<1280x128xi32, #tpu.memory_space<hbm>>, %arg6: memref<163840x128xf32, #tpu.memory_space<hbm>>, %arg7: memref<163840x128xf32, #tpu.memory_space<hbm>>, %arg8: memref<40x128xi32, #tpu.memory_space<vmem>>, %arg9: memref<40x128xi32, #tpu.memory_space<vmem>>, %arg10: memref<2x128x128xf32, #tpu.memory_space<vmem>>, %arg11: memref<2x128x128xf32, #tpu.memory_space<vmem>>, %arg12: memref<2x!tpu.dma_semaphore, #tpu.memory_space<semaphore_mem>>, %arg13: memref<2x!tpu.dma_semaphore, #tpu.memory_space<semaphore_mem>>, %arg14: memref<2x!tpu.dma_semaphore, #tpu.memory_space<semaphore_mem>>, %arg15: memref<2x!tpu.dma_semaphore, #tpu.memory_space<semaphore_mem>>) attributes {dimension_semantics = [#tpu.dimension_semantics<core_parallel>, #tpu.dimension_semantics<subcore_parallel>], iteration_bounds = array<i64: 2, 16>, scalar_prefetch = 0 : i64, scratch_operands = 8 : i64, tpu.core_type = #tpu.core_type<sc_vector_subcore>, window_params = [{transform_indices = #map}, {transform_indices = #map}, {transform_indices = #map}, {transform_indices = #map}, {transform_indices = #map}, {transform_indices = #map}]} {
    %eq3A = arith.constant 1 : i32
    %eq3A_0 = arith.cmpi eq, %arg0, %eq3A : i32
    %jit3A = arith.constant 40 : i32
    %jit3A_1 = arith.constant 40 : i32
    %select_n3A = arith.select %eq3A_0, %jit3A, %jit3A_1 : i32
    %eq3A_2 = arith.constant 1 : i32
    %eq3A_3 = arith.cmpi eq, %arg0, %eq3A_2 : i32
    %mul3A = arith.constant 40 : i32
    %mul3A_4 = arith.muli %arg1, %mul3A : i32
    %mul3A_5 = arith.constant 40 : i32
    %mul3A_6 = arith.muli %arg1, %mul3A_5 : i32
    %add3A = arith.constant 640 : i32
    %add3A_7 = arith.addi %add3A, %mul3A_6 : i32
    %select_n3A_8 = arith.select %eq3A_3, %mul3A_4, %add3A_7 : i32
    "tpu.region"() ({
      %run_scoped3A = tpu.sem_alloc : memref<!tpu.dma_semaphore, #tpu.memory_space<semaphore_mem>>
      %dma_start3A_320 = arith.constant 0 : i32
      %dma_start3A_321 = arith.constant 0 : i32
      %dma_start3A_322 = tpu.memref_slice %arg8[%dma_start3A_320, %dma_start3A_321] <%select_n3A> : memref<40x128xi32, #tpu.memory_space<vmem>> -> memref<?x128xi32, #tpu.memory_space<vmem>>
      %dma_start3A_323 = arith.constant 0 : i32
      %dma_start3A_324 = tpu.memref_slice %arg4[%select_n3A_8, %dma_start3A_323] <%select_n3A> : memref<1280x128xi32, #tpu.memory_space<hbm>> -> memref<?x128xi32, #tpu.memory_space<hbm>>
      %dma_start3A_325 = arith.constant 0 : i32
      %dma_start3A_326 = arith.constant 0 : i32
      %dma_start3A_327 = tpu.memref_slice %arg8[%dma_start3A_325, %dma_start3A_326] <%select_n3A> : memref<40x128xi32, #tpu.memory_space<vmem>> -> memref<?x128xi32, #tpu.memory_space<vmem>>
      %dma_start3A_328 = arith.constant 0 : i32
      %dma_start3A_329 = tpu.memref_slice %arg4[%select_n3A_8, %dma_start3A_328] <%select_n3A> : memref<1280x128xi32, #tpu.memory_space<hbm>> -> memref<?x128xi32, #tpu.memory_space<hbm>>
      tpu.enqueue_dma source(%dma_start3A_329 : memref<?x128xi32, #tpu.memory_space<hbm>>) target(%dma_start3A_327 : memref<?x128xi32, #tpu.memory_space<vmem>>) target_semaphore(%run_scoped3A : memref<!tpu.dma_semaphore, #tpu.memory_space<semaphore_mem>>)
      %dma_wait3A_330 = arith.constant 0 : i32
      %dma_wait3A_331 = arith.constant 0 : i32
      %dma_wait3A_332 = tpu.memref_slice %arg8[%dma_wait3A_330, %dma_wait3A_331] <%select_n3A> : memref<40x128xi32, #tpu.memory_space<vmem>> -> memref<?x128xi32, #tpu.memory_space<vmem>>
      %dma_wait3A_333 = arith.constant 0 : i32
      %dma_wait3A_334 = tpu.memref_slice %arg4[%select_n3A_8, %dma_wait3A_333] <%select_n3A> : memref<1280x128xi32, #tpu.memory_space<hbm>> -> memref<?x128xi32, #tpu.memory_space<hbm>>
      %dma_wait3A_335 = arith.constant 0 : i32
      %dma_wait3A_336 = arith.constant 0 : i32
      %dma_wait3A_337 = tpu.memref_slice %arg8[%dma_wait3A_335, %dma_wait3A_336] <%select_n3A> : memref<40x128xi32, #tpu.memory_space<vmem>> -> memref<?x128xi32, #tpu.memory_space<vmem>>
      %dma_wait3A_338 = arith.constant 0 : i32
      %dma_wait3A_339 = tpu.memref_slice %arg4[%select_n3A_8, %dma_wait3A_338] <%select_n3A> : memref<1280x128xi32, #tpu.memory_space<hbm>> -> memref<?x128xi32, #tpu.memory_space<hbm>>
      tpu.wait_dma2 semaphore(%run_scoped3A : memref<!tpu.dma_semaphore, #tpu.memory_space<semaphore_mem>>) src(%dma_wait3A_339 : memref<?x128xi32, #tpu.memory_space<hbm>>) dst(%dma_wait3A_337 : memref<?x128xi32, #tpu.memory_space<vmem>>)
      tpu.yield
    }) : () -> ()
    "tpu.region"() ({
      %run_scoped3A = tpu.sem_alloc : memref<!tpu.dma_semaphore, #tpu.memory_space<semaphore_mem>>
      %dma_start3A_320 = arith.constant 0 : i32
      %dma_start3A_321 = arith.constant 0 : i32
      %dma_start3A_322 = tpu.memref_slice %arg9[%dma_start3A_320, %dma_start3A_321] <%select_n3A> : memref<40x128xi32, #tpu.memory_space<vmem>> -> memref<?x128xi32, #tpu.memory_space<vmem>>
      %dma_start3A_323 = arith.constant 0 : i32
      %dma_start3A_324 = tpu.memref_slice %arg5[%select_n3A_8, %dma_start3A_323] <%select_n3A> : memref<1280x128xi32, #tpu.memory_space<hbm>> -> memref<?x128xi32, #tpu.memory_space<hbm>>
      %dma_start3A_325 = arith.constant 0 : i32
      %dma_start3A_326 = arith.constant 0 : i32
      %dma_start3A_327 = tpu.memref_slice %arg9[%dma_start3A_325, %dma_start3A_326] <%select_n3A> : memref<40x128xi32, #tpu.memory_space<vmem>> -> memref<?x128xi32, #tpu.memory_space<vmem>>
      %dma_start3A_328 = arith.constant 0 : i32
      %dma_start3A_329 = tpu.memref_slice %arg5[%select_n3A_8, %dma_start3A_328] <%select_n3A> : memref<1280x128xi32, #tpu.memory_space<hbm>> -> memref<?x128xi32, #tpu.memory_space<hbm>>
      tpu.enqueue_dma source(%dma_start3A_329 : memref<?x128xi32, #tpu.memory_space<hbm>>) target(%dma_start3A_327 : memref<?x128xi32, #tpu.memory_space<vmem>>) target_semaphore(%run_scoped3A : memref<!tpu.dma_semaphore, #tpu.memory_space<semaphore_mem>>)
      %dma_wait3A_330 = arith.constant 0 : i32
      %dma_wait3A_331 = arith.constant 0 : i32
      %dma_wait3A_332 = tpu.memref_slice %arg9[%dma_wait3A_330, %dma_wait3A_331] <%select_n3A> : memref<40x128xi32, #tpu.memory_space<vmem>> -> memref<?x128xi32, #tpu.memory_space<vmem>>
      %dma_wait3A_333 = arith.constant 0 : i32
      %dma_wait3A_334 = tpu.memref_slice %arg5[%select_n3A_8, %dma_wait3A_333] <%select_n3A> : memref<1280x128xi32, #tpu.memory_space<hbm>> -> memref<?x128xi32, #tpu.memory_space<hbm>>
      %dma_wait3A_335 = arith.constant 0 : i32
      %dma_wait3A_336 = arith.constant 0 : i32
      %dma_wait3A_337 = tpu.memref_slice %arg9[%dma_wait3A_335, %dma_wait3A_336] <%select_n3A> : memref<40x128xi32, #tpu.memory_space<vmem>> -> memref<?x128xi32, #tpu.memory_space<vmem>>
      %dma_wait3A_338 = arith.constant 0 : i32
      %dma_wait3A_339 = tpu.memref_slice %arg5[%select_n3A_8, %dma_wait3A_338] <%select_n3A> : memref<1280x128xi32, #tpu.memory_space<hbm>> -> memref<?x128xi32, #tpu.memory_space<hbm>>
      tpu.wait_dma2 semaphore(%run_scoped3A : memref<!tpu.dma_semaphore, #tpu.memory_space<semaphore_mem>>) src(%dma_wait3A_339 : memref<?x128xi32, #tpu.memory_space<hbm>>) dst(%dma_wait3A_337 : memref<?x128xi32, #tpu.memory_space<vmem>>)
      tpu.yield
    }) : () -> ()
    %dma_start3A = arith.constant 0 : i32
    %dma_start3A_9 = arith.constant 0 : i32
    %dma_start3A_10 = arith.constant 0 : i32
    %dma_start3A_11 = arith.constant 0 : i32
    %dma_start3A_12 = arith.constant 0 : i32
    %dma_start3A_13 = tpu.memref_slice %arg10[%dma_start3A_9, %dma_start3A_11, %dma_start3A_12] : memref<2x128x128xf32, #tpu.memory_space<vmem>> -> memref<1x128x128xf32, #tpu.memory_space<vmem>>
    %dma_start3A_14 = tpu.memref_squeeze %dma_start3A_13 : memref<1x128x128xf32, #tpu.memory_space<vmem>> -> memref<128x128xf32, #tpu.memory_space<vmem>>
    %dma_start3A_15 = arith.constant 0 : i32
    %dma_start3A_16 = tpu.memref_slice %arg8[%dma_start3A, %dma_start3A_15] : memref<40x128xi32, #tpu.memory_space<vmem>> -> memref<1x128xi32, #tpu.memory_space<vmem>>
    %dma_start3A_17 = tpu.memref_squeeze %dma_start3A_16 : memref<1x128xi32, #tpu.memory_space<vmem>> -> memref<128xi32, #tpu.memory_space<vmem>>
    %dma_start3A_18 = arith.constant 0 : i32
    %dma_start3A_19 = arith.constant 0 : i32
    %dma_start3A_20 = tpu.memref_slice %arg2[%dma_start3A_18, %dma_start3A_19] : memref<10000x128xf32, #tpu.memory_space<hbm>> -> memref<10000x128xf32, #tpu.memory_space<hbm>>
    %dma_start3A_21 = tpu.memref_slice %arg12[%dma_start3A_10] : memref<2x!tpu.dma_semaphore, #tpu.memory_space<semaphore_mem>> -> memref<1x!tpu.dma_semaphore, #tpu.memory_space<semaphore_mem>>
    %dma_start3A_22 = tpu.memref_squeeze %dma_start3A_21 : memref<1x!tpu.dma_semaphore, #tpu.memory_space<semaphore_mem>> -> memref<!tpu.dma_semaphore, #tpu.memory_space<semaphore_mem>>
    tpu.enqueue_indirect_dma source(%dma_start3A_20 : memref<10000x128xf32, #tpu.memory_space<hbm>>) target(%dma_start3A_14 : memref<128x128xf32, #tpu.memory_space<vmem>>) offsets(%dma_start3A_17 : memref<128xi32, #tpu.memory_space<vmem>>) semaphore(%dma_start3A_22 : memref<!tpu.dma_semaphore, #tpu.memory_space<semaphore_mem>>)
    %dma_start3A_23 = arith.constant 0 : i32
    %dma_start3A_24 = arith.constant 0 : i32
    %dma_start3A_25 = arith.constant 0 : i32
    %dma_start3A_26 = arith.constant 0 : i32
    %dma_start3A_27 = arith.constant 0 : i32
    %dma_start3A_28 = tpu.memref_slice %arg11[%dma_start3A_24, %dma_start3A_26, %dma_start3A_27] : memref<2x128x128xf32, #tpu.memory_space<vmem>> -> memref<1x128x128xf32, #tpu.memory_space<vmem>>
    %dma_start3A_29 = tpu.memref_squeeze %dma_start3A_28 : memref<1x128x128xf32, #tpu.memory_space<vmem>> -> memref<128x128xf32, #tpu.memory_space<vmem>>
    %dma_start3A_30 = arith.constant 0 : i32
    %dma_start3A_31 = tpu.memref_slice %arg9[%dma_start3A_23, %dma_start3A_30] : memref<40x128xi32, #tpu.memory_space<vmem>> -> memref<1x128xi32, #tpu.memory_space<vmem>>
    %dma_start3A_32 = tpu.memref_squeeze %dma_start3A_31 : memref<1x128xi32, #tpu.memory_space<vmem>> -> memref<128xi32, #tpu.memory_space<vmem>>
    %dma_start3A_33 = arith.constant 0 : i32
    %dma_start3A_34 = arith.constant 0 : i32
    %dma_start3A_35 = tpu.memref_slice %arg3[%dma_start3A_33, %dma_start3A_34] : memref<10000x128xf32, #tpu.memory_space<hbm>> -> memref<10000x128xf32, #tpu.memory_space<hbm>>
    %dma_start3A_36 = tpu.memref_slice %arg14[%dma_start3A_25] : memref<2x!tpu.dma_semaphore, #tpu.memory_space<semaphore_mem>> -> memref<1x!tpu.dma_semaphore, #tpu.memory_space<semaphore_mem>>
    %dma_start3A_37 = tpu.memref_squeeze %dma_start3A_36 : memref<1x!tpu.dma_semaphore, #tpu.memory_space<semaphore_mem>> -> memref<!tpu.dma_semaphore, #tpu.memory_space<semaphore_mem>>
    tpu.enqueue_indirect_dma source(%dma_start3A_35 : memref<10000x128xf32, #tpu.memory_space<hbm>>) target(%dma_start3A_29 : memref<128x128xf32, #tpu.memory_space<vmem>>) offsets(%dma_start3A_32 : memref<128xi32, #tpu.memory_space<vmem>>) semaphore(%dma_start3A_37 : memref<!tpu.dma_semaphore, #tpu.memory_space<semaphore_mem>>)
    %dma_start3A_38 = arith.constant 1 : i32
    %dma_start3A_39 = arith.constant 1 : i32
    %dma_start3A_40 = arith.constant 1 : i32
    %dma_start3A_41 = arith.constant 0 : i32
    %dma_start3A_42 = arith.constant 0 : i32
    %dma_start3A_43 = tpu.memref_slice %arg10[%dma_start3A_39, %dma_start3A_41, %dma_start3A_42] : memref<2x128x128xf32, #tpu.memory_space<vmem>> -> memref<1x128x128xf32, #tpu.memory_space<vmem>>
    %dma_start3A_44 = tpu.memref_squeeze %dma_start3A_43 : memref<1x128x128xf32, #tpu.memory_space<vmem>> -> memref<128x128xf32, #tpu.memory_space<vmem>>
    %dma_start3A_45 = arith.constant 0 : i32
    %dma_start3A_46 = tpu.memref_slice %arg8[%dma_start3A_38, %dma_start3A_45] : memref<40x128xi32, #tpu.memory_space<vmem>> -> memref<1x128xi32, #tpu.memory_space<vmem>>
    %dma_start3A_47 = tpu.memref_squeeze %dma_start3A_46 : memref<1x128xi32, #tpu.memory_space<vmem>> -> memref<128xi32, #tpu.memory_space<vmem>>
    %dma_start3A_48 = arith.constant 0 : i32
    %dma_start3A_49 = arith.constant 0 : i32
    %dma_start3A_50 = tpu.memref_slice %arg2[%dma_start3A_48, %dma_start3A_49] : memref<10000x128xf32, #tpu.memory_space<hbm>> -> memref<10000x128xf32, #tpu.memory_space<hbm>>
    %dma_start3A_51 = tpu.memref_slice %arg12[%dma_start3A_40] : memref<2x!tpu.dma_semaphore, #tpu.memory_space<semaphore_mem>> -> memref<1x!tpu.dma_semaphore, #tpu.memory_space<semaphore_mem>>
    %dma_start3A_52 = tpu.memref_squeeze %dma_start3A_51 : memref<1x!tpu.dma_semaphore, #tpu.memory_space<semaphore_mem>> -> memref<!tpu.dma_semaphore, #tpu.memory_space<semaphore_mem>>
    tpu.enqueue_indirect_dma source(%dma_start3A_50 : memref<10000x128xf32, #tpu.memory_space<hbm>>) target(%dma_start3A_44 : memref<128x128xf32, #tpu.memory_space<vmem>>) offsets(%dma_start3A_47 : memref<128xi32, #tpu.memory_space<vmem>>) semaphore(%dma_start3A_52 : memref<!tpu.dma_semaphore, #tpu.memory_space<semaphore_mem>>)
    %dma_start3A_53 = arith.constant 1 : i32
    %dma_start3A_54 = arith.constant 1 : i32
    %dma_start3A_55 = arith.constant 1 : i32
    %dma_start3A_56 = arith.constant 0 : i32
    %dma_start3A_57 = arith.constant 0 : i32
    %dma_start3A_58 = tpu.memref_slice %arg11[%dma_start3A_54, %dma_start3A_56, %dma_start3A_57] : memref<2x128x128xf32, #tpu.memory_space<vmem>> -> memref<1x128x128xf32, #tpu.memory_space<vmem>>
    %dma_start3A_59 = tpu.memref_squeeze %dma_start3A_58 : memref<1x128x128xf32, #tpu.memory_space<vmem>> -> memref<128x128xf32, #tpu.memory_space<vmem>>
    %dma_start3A_60 = arith.constant 0 : i32
    %dma_start3A_61 = tpu.memref_slice %arg9[%dma_start3A_53, %dma_start3A_60] : memref<40x128xi32, #tpu.memory_space<vmem>> -> memref<1x128xi32, #tpu.memory_space<vmem>>
    %dma_start3A_62 = tpu.memref_squeeze %dma_start3A_61 : memref<1x128xi32, #tpu.memory_space<vmem>> -> memref<128xi32, #tpu.memory_space<vmem>>
    %dma_start3A_63 = arith.constant 0 : i32
    %dma_start3A_64 = arith.constant 0 : i32
    %dma_start3A_65 = tpu.memref_slice %arg3[%dma_start3A_63, %dma_start3A_64] : memref<10000x128xf32, #tpu.memory_space<hbm>> -> memref<10000x128xf32, #tpu.memory_space<hbm>>
    %dma_start3A_66 = tpu.memref_slice %arg14[%dma_start3A_55] : memref<2x!tpu.dma_semaphore, #tpu.memory_space<semaphore_mem>> -> memref<1x!tpu.dma_semaphore, #tpu.memory_space<semaphore_mem>>
    %dma_start3A_67 = tpu.memref_squeeze %dma_start3A_66 : memref<1x!tpu.dma_semaphore, #tpu.memory_space<semaphore_mem>> -> memref<!tpu.dma_semaphore, #tpu.memory_space<semaphore_mem>>
    tpu.enqueue_indirect_dma source(%dma_start3A_65 : memref<10000x128xf32, #tpu.memory_space<hbm>>) target(%dma_start3A_59 : memref<128x128xf32, #tpu.memory_space<vmem>>) offsets(%dma_start3A_62 : memref<128xi32, #tpu.memory_space<vmem>>) semaphore(%dma_start3A_67 : memref<!tpu.dma_semaphore, #tpu.memory_space<semaphore_mem>>)
    %sub3A = arith.constant 2 : i32
    %sub3A_68 = arith.subi %select_n3A, %sub3A : i32
    %jit3A_69 = arith.constant 2 : i32
    %div3A = arith.divsi %sub3A_68, %jit3A_69 : i32
    %sign3A = arith.constant 0 : i32
    %sign3A_70 = arith.cmpi sgt, %sub3A_68, %sign3A : i32
    %sign3A_71 = arith.extui %sign3A_70 : i1 to i32
    %sign3A_72 = arith.constant 0 : i32
    %sign3A_73 = arith.cmpi slt, %sub3A_68, %sign3A_72 : i32
    %sign3A_74 = arith.extui %sign3A_73 : i1 to i32
    %sign3A_75 = arith.subi %sign3A_71, %sign3A_74 : i32
    %sign3A_76 = arith.constant 0 : i32
    %sign3A_77 = arith.cmpi sgt, %jit3A_69, %sign3A_76 : i32
    %sign3A_78 = arith.extui %sign3A_77 : i1 to i32
    %sign3A_79 = arith.constant 0 : i32
    %sign3A_80 = arith.cmpi slt, %jit3A_69, %sign3A_79 : i32
    %sign3A_81 = arith.extui %sign3A_80 : i1 to i32
    %sign3A_82 = arith.subi %sign3A_78, %sign3A_81 : i32
    %ne3A = arith.cmpi ne, %sign3A_75, %sign3A_82 : i32
    %rem3A = arith.remsi %sub3A_68, %jit3A_69 : i32
    %ne3A_83 = arith.constant 0 : i32
    %ne3A_84 = arith.cmpi ne, %rem3A, %ne3A_83 : i32
    %and3A = arith.andi %ne3A, %ne3A_84 : i1
    %sub3A_85 = arith.constant 1 : i32
    %sub3A_86 = arith.subi %div3A, %sub3A_85 : i32
    %select_n3A_87 = arith.select %and3A, %sub3A_86, %div3A : i32
    %while3A = arith.constant 0 : i32
    %while3A_88 = arith.constant 0 : i32
    %while3A_89 = arith.subi %select_n3A_87, %while3A_88 : i32
    %while3A_90 = arith.addi %while3A_88, %while3A_89 : i32
    %while3A_91 = arith.constant 1 : i32
    %while3A_92 = arith.divsi %while3A_89, %while3A_91 : i32
    %while3A_93 = arith.muli %while3A_92, %while3A_91 : i32
    %while3A_94 = arith.addi %while3A_88, %while3A_93 : i32
    %while3A_95 = arith.constant 1 : i32
    scf.for %while3A_320 = %while3A_88 to %while3A_94 step %while3A_95  : i32 {
      %mul3A_321 = arith.constant 2 : i32
      %mul3A_322 = arith.muli %while3A_320, %mul3A_321 : i32
      %dma_wait3A_323 = arith.constant 0 : i32
      %dma_wait3A_324 = arith.constant 0 : i32
      %dma_wait3A_325 = arith.constant 0 : i32
      %dma_wait3A_326 = arith.constant 0 : i32
      %dma_wait3A_327 = tpu.memref_slice %arg10[%dma_wait3A_323, %dma_wait3A_325, %dma_wait3A_326] : memref<2x128x128xf32, #tpu.memory_space<vmem>> -> memref<1x128x128xf32, #tpu.memory_space<vmem>>
      %dma_wait3A_328 = tpu.memref_squeeze %dma_wait3A_327 : memref<1x128x128xf32, #tpu.memory_space<vmem>> -> memref<128x128xf32, #tpu.memory_space<vmem>>
      %dma_wait3A_329 = arith.constant 0 : i32
      %dma_wait3A_330 = arith.constant 0 : i32
      %dma_wait3A_331 = tpu.memref_slice %arg2[%dma_wait3A_329, %dma_wait3A_330] : memref<10000x128xf32, #tpu.memory_space<hbm>> -> memref<128x128xf32, #tpu.memory_space<hbm>>
      %dma_wait3A_332 = tpu.memref_slice %arg12[%dma_wait3A_324] : memref<2x!tpu.dma_semaphore, #tpu.memory_space<semaphore_mem>> -> memref<1x!tpu.dma_semaphore, #tpu.memory_space<semaphore_mem>>
      %dma_wait3A_333 = tpu.memref_squeeze %dma_wait3A_332 : memref<1x!tpu.dma_semaphore, #tpu.memory_space<semaphore_mem>> -> memref<!tpu.dma_semaphore, #tpu.memory_space<semaphore_mem>>
      %dma_wait3A_334 = arith.constant 0 : i32
      %dma_wait3A_335 = arith.constant 0 : i32
      %dma_wait3A_336 = tpu.memref_slice %arg10[%dma_wait3A_323, %dma_wait3A_334, %dma_wait3A_335] : memref<2x128x128xf32, #tpu.memory_space<vmem>> -> memref<1x128x128xf32, #tpu.memory_space<vmem>>
      %dma_wait3A_337 = tpu.memref_squeeze %dma_wait3A_336 : memref<1x128x128xf32, #tpu.memory_space<vmem>> -> memref<128x128xf32, #tpu.memory_space<vmem>>
      %dma_wait3A_338 = arith.constant 0 : i32
      %dma_wait3A_339 = arith.constant 0 : i32
      %dma_wait3A_340 = tpu.memref_slice %arg2[%dma_wait3A_338, %dma_wait3A_339] : memref<10000x128xf32, #tpu.memory_space<hbm>> -> memref<128x128xf32, #tpu.memory_space<hbm>>
      tpu.wait_dma2 semaphore(%dma_wait3A_333 : memref<!tpu.dma_semaphore, #tpu.memory_space<semaphore_mem>>) src(%dma_wait3A_340 : memref<128x128xf32, #tpu.memory_space<hbm>>) dst(%dma_wait3A_337 : memref<128x128xf32, #tpu.memory_space<vmem>>)
      %dma_wait3A_341 = arith.constant 0 : i32
      %dma_wait3A_342 = arith.constant 0 : i32
      %dma_wait3A_343 = arith.constant 0 : i32
      %dma_wait3A_344 = arith.constant 0 : i32
      %dma_wait3A_345 = tpu.memref_slice %arg11[%dma_wait3A_341, %dma_wait3A_343, %dma_wait3A_344] : memref<2x128x128xf32, #tpu.memory_space<vmem>> -> memref<1x128x128xf32, #tpu.memory_space<vmem>>
      %dma_wait3A_346 = tpu.memref_squeeze %dma_wait3A_345 : memref<1x128x128xf32, #tpu.memory_space<vmem>> -> memref<128x128xf32, #tpu.memory_space<vmem>>
      %dma_wait3A_347 = arith.constant 0 : i32
      %dma_wait3A_348 = arith.constant 0 : i32
      %dma_wait3A_349 = tpu.memref_slice %arg3[%dma_wait3A_347, %dma_wait3A_348] : memref<10000x128xf32, #tpu.memory_space<hbm>> -> memref<128x128xf32, #tpu.memory_space<hbm>>
      %dma_wait3A_350 = tpu.memref_slice %arg14[%dma_wait3A_342] : memref<2x!tpu.dma_semaphore, #tpu.memory_space<semaphore_mem>> -> memref<1x!tpu.dma_semaphore, #tpu.memory_space<semaphore_mem>>
      %dma_wait3A_351 = tpu.memref_squeeze %dma_wait3A_350 : memref<1x!tpu.dma_semaphore, #tpu.memory_space<semaphore_mem>> -> memref<!tpu.dma_semaphore, #tpu.memory_space<semaphore_mem>>
      %dma_wait3A_352 = arith.constant 0 : i32
      %dma_wait3A_353 = arith.constant 0 : i32
      %dma_wait3A_354 = tpu.memref_slice %arg11[%dma_wait3A_341, %dma_wait3A_352, %dma_wait3A_353] : memref<2x128x128xf32, #tpu.memory_space<vmem>> -> memref<1x128x128xf32, #tpu.memory_space<vmem>>
      %dma_wait3A_355 = tpu.memref_squeeze %dma_wait3A_354 : memref<1x128x128xf32, #tpu.memory_space<vmem>> -> memref<128x128xf32, #tpu.memory_space<vmem>>
      %dma_wait3A_356 = arith.constant 0 : i32
      %dma_wait3A_357 = arith.constant 0 : i32
      %dma_wait3A_358 = tpu.memref_slice %arg3[%dma_wait3A_356, %dma_wait3A_357] : memref<10000x128xf32, #tpu.memory_space<hbm>> -> memref<128x128xf32, #tpu.memory_space<hbm>>
      tpu.wait_dma2 semaphore(%dma_wait3A_351 : memref<!tpu.dma_semaphore, #tpu.memory_space<semaphore_mem>>) src(%dma_wait3A_358 : memref<128x128xf32, #tpu.memory_space<hbm>>) dst(%dma_wait3A_355 : memref<128x128xf32, #tpu.memory_space<vmem>>)
      %add3A_359 = arith.constant 0 : i32
      %add3A_360 = arith.addi %mul3A_322, %add3A_359 : i32
      %add3A_361 = arith.addi %select_n3A_8, %add3A_360 : i32
      %mul3A_362 = arith.constant 128 : i32
      %mul3A_363 = arith.muli %add3A_361, %mul3A_362 : i32
      %dma_start3A_364 = arith.constant 0 : i32
      %dma_start3A_365 = arith.constant 0 : i32
      %dma_start3A_366 = arith.constant 0 : i32
      %dma_start3A_367 = arith.constant 0 : i32
      %dma_start3A_368 = tpu.memref_slice %arg10[%dma_start3A_364, %dma_start3A_366, %dma_start3A_367] : memref<2x128x128xf32, #tpu.memory_space<vmem>> -> memref<1x128x128xf32, #tpu.memory_space<vmem>>
      %dma_start3A_369 = tpu.memref_squeeze %dma_start3A_368 : memref<1x128x128xf32, #tpu.memory_space<vmem>> -> memref<128x128xf32, #tpu.memory_space<vmem>>
      %dma_start3A_370 = arith.constant 0 : i32
      %dma_start3A_371 = tpu.memref_slice %arg6[%mul3A_363, %dma_start3A_370] : memref<163840x128xf32, #tpu.memory_space<hbm>> -> memref<128x128xf32, #tpu.memory_space<hbm>>
      %dma_start3A_372 = tpu.memref_slice %arg13[%dma_start3A_365] : memref<2x!tpu.dma_semaphore, #tpu.memory_space<semaphore_mem>> -> memref<1x!tpu.dma_semaphore, #tpu.memory_space<semaphore_mem>>
      %dma_start3A_373 = tpu.memref_squeeze %dma_start3A_372 : memref<1x!tpu.dma_semaphore, #tpu.memory_space<semaphore_mem>> -> memref<!tpu.dma_semaphore, #tpu.memory_space<semaphore_mem>>
      %dma_start3A_374 = arith.constant 0 : i32
      %dma_start3A_375 = tpu.memref_slice %arg6[%mul3A_363, %dma_start3A_374] : memref<163840x128xf32, #tpu.memory_space<hbm>> -> memref<128x128xf32, #tpu.memory_space<hbm>>
      %dma_start3A_376 = arith.constant 0 : i32
      %dma_start3A_377 = arith.constant 0 : i32
      %dma_start3A_378 = tpu.memref_slice %arg10[%dma_start3A_364, %dma_start3A_376, %dma_start3A_377] : memref<2x128x128xf32, #tpu.memory_space<vmem>> -> memref<1x128x128xf32, #tpu.memory_space<vmem>>
      %dma_start3A_379 = tpu.memref_squeeze %dma_start3A_378 : memref<1x128x128xf32, #tpu.memory_space<vmem>> -> memref<128x128xf32, #tpu.memory_space<vmem>>
      tpu.enqueue_dma source(%dma_start3A_379 : memref<128x128xf32, #tpu.memory_space<vmem>>) target(%dma_start3A_375 : memref<128x128xf32, #tpu.memory_space<hbm>>) target_semaphore(%dma_start3A_373 : memref<!tpu.dma_semaphore, #tpu.memory_space<semaphore_mem>>)
      %mul3A_380 = arith.constant 128 : i32
      %mul3A_381 = arith.muli %add3A_361, %mul3A_380 : i32
      %dma_start3A_382 = arith.constant 0 : i32
      %dma_start3A_383 = arith.constant 0 : i32
      %dma_start3A_384 = arith.constant 0 : i32
      %dma_start3A_385 = arith.constant 0 : i32
      %dma_start3A_386 = tpu.memref_slice %arg11[%dma_start3A_382, %dma_start3A_384, %dma_start3A_385] : memref<2x128x128xf32, #tpu.memory_space<vmem>> -> memref<1x128x128xf32, #tpu.memory_space<vmem>>
      %dma_start3A_387 = tpu.memref_squeeze %dma_start3A_386 : memref<1x128x128xf32, #tpu.memory_space<vmem>> -> memref<128x128xf32, #tpu.memory_space<vmem>>
      %dma_start3A_388 = arith.constant 0 : i32
      %dma_start3A_389 = tpu.memref_slice %arg7[%mul3A_381, %dma_start3A_388] : memref<163840x128xf32, #tpu.memory_space<hbm>> -> memref<128x128xf32, #tpu.memory_space<hbm>>
      %dma_start3A_390 = tpu.memref_slice %arg15[%dma_start3A_383] : memref<2x!tpu.dma_semaphore, #tpu.memory_space<semaphore_mem>> -> memref<1x!tpu.dma_semaphore, #tpu.memory_space<semaphore_mem>>
      %dma_start3A_391 = tpu.memref_squeeze %dma_start3A_390 : memref<1x!tpu.dma_semaphore, #tpu.memory_space<semaphore_mem>> -> memref<!tpu.dma_semaphore, #tpu.memory_space<semaphore_mem>>
      %dma_start3A_392 = arith.constant 0 : i32
      %dma_start3A_393 = tpu.memref_slice %arg7[%mul3A_381, %dma_start3A_392] : memref<163840x128xf32, #tpu.memory_space<hbm>> -> memref<128x128xf32, #tpu.memory_space<hbm>>
      %dma_start3A_394 = arith.constant 0 : i32
      %dma_start3A_395 = arith.constant 0 : i32
      %dma_start3A_396 = tpu.memref_slice %arg11[%dma_start3A_382, %dma_start3A_394, %dma_start3A_395] : memref<2x128x128xf32, #tpu.memory_space<vmem>> -> memref<1x128x128xf32, #tpu.memory_space<vmem>>
      %dma_start3A_397 = tpu.memref_squeeze %dma_start3A_396 : memref<1x128x128xf32, #tpu.memory_space<vmem>> -> memref<128x128xf32, #tpu.memory_space<vmem>>
      tpu.enqueue_dma source(%dma_start3A_397 : memref<128x128xf32, #tpu.memory_space<vmem>>) target(%dma_start3A_393 : memref<128x128xf32, #tpu.memory_space<hbm>>) target_semaphore(%dma_start3A_391 : memref<!tpu.dma_semaphore, #tpu.memory_space<semaphore_mem>>)
      %dma_wait3A_398 = arith.constant 1 : i32
      %dma_wait3A_399 = arith.constant 1 : i32
      %dma_wait3A_400 = arith.constant 0 : i32
      %dma_wait3A_401 = arith.constant 0 : i32
      %dma_wait3A_402 = tpu.memref_slice %arg10[%dma_wait3A_398, %dma_wait3A_400, %dma_wait3A_401] : memref<2x128x128xf32, #tpu.memory_space<vmem>> -> memref<1x128x128xf32, #tpu.memory_space<vmem>>
      %dma_wait3A_403 = tpu.memref_squeeze %dma_wait3A_402 : memref<1x128x128xf32, #tpu.memory_space<vmem>> -> memref<128x128xf32, #tpu.memory_space<vmem>>
      %dma_wait3A_404 = arith.constant 0 : i32
      %dma_wait3A_405 = arith.constant 0 : i32
      %dma_wait3A_406 = tpu.memref_slice %arg2[%dma_wait3A_404, %dma_wait3A_405] : memref<10000x128xf32, #tpu.memory_space<hbm>> -> memref<128x128xf32, #tpu.memory_space<hbm>>
      %dma_wait3A_407 = tpu.memref_slice %arg12[%dma_wait3A_399] : memref<2x!tpu.dma_semaphore, #tpu.memory_space<semaphore_mem>> -> memref<1x!tpu.dma_semaphore, #tpu.memory_space<semaphore_mem>>
      %dma_wait3A_408 = tpu.memref_squeeze %dma_wait3A_407 : memref<1x!tpu.dma_semaphore, #tpu.memory_space<semaphore_mem>> -> memref<!tpu.dma_semaphore, #tpu.memory_space<semaphore_mem>>
      %dma_wait3A_409 = arith.constant 0 : i32
      %dma_wait3A_410 = arith.constant 0 : i32
      %dma_wait3A_411 = tpu.memref_slice %arg10[%dma_wait3A_398, %dma_wait3A_409, %dma_wait3A_410] : memref<2x128x128xf32, #tpu.memory_space<vmem>> -> memref<1x128x128xf32, #tpu.memory_space<vmem>>
      %dma_wait3A_412 = tpu.memref_squeeze %dma_wait3A_411 : memref<1x128x128xf32, #tpu.memory_space<vmem>> -> memref<128x128xf32, #tpu.memory_space<vmem>>
      %dma_wait3A_413 = arith.constant 0 : i32
      %dma_wait3A_414 = arith.constant 0 : i32
      %dma_wait3A_415 = tpu.memref_slice %arg2[%dma_wait3A_413, %dma_wait3A_414] : memref<10000x128xf32, #tpu.memory_space<hbm>> -> memref<128x128xf32, #tpu.memory_space<hbm>>
      tpu.wait_dma2 semaphore(%dma_wait3A_408 : memref<!tpu.dma_semaphore, #tpu.memory_space<semaphore_mem>>) src(%dma_wait3A_415 : memref<128x128xf32, #tpu.memory_space<hbm>>) dst(%dma_wait3A_412 : memref<128x128xf32, #tpu.memory_space<vmem>>)
      %dma_wait3A_416 = arith.constant 1 : i32
      %dma_wait3A_417 = arith.constant 1 : i32
      %dma_wait3A_418 = arith.constant 0 : i32
      %dma_wait3A_419 = arith.constant 0 : i32
      %dma_wait3A_420 = tpu.memref_slice %arg11[%dma_wait3A_416, %dma_wait3A_418, %dma_wait3A_419] : memref<2x128x128xf32, #tpu.memory_space<vmem>> -> memref<1x128x128xf32, #tpu.memory_space<vmem>>
      %dma_wait3A_421 = tpu.memref_squeeze %dma_wait3A_420 : memref<1x128x128xf32, #tpu.memory_space<vmem>> -> memref<128x128xf32, #tpu.memory_space<vmem>>
      %dma_wait3A_422 = arith.constant 0 : i32
      %dma_wait3A_423 = arith.constant 0 : i32
      %dma_wait3A_424 = tpu.memref_slice %arg3[%dma_wait3A_422, %dma_wait3A_423] : memref<10000x128xf32, #tpu.memory_space<hbm>> -> memref<128x128xf32, #tpu.memory_space<hbm>>
      %dma_wait3A_425 = tpu.memref_slice %arg14[%dma_wait3A_417] : memref<2x!tpu.dma_semaphore, #tpu.memory_space<semaphore_mem>> -> memref<1x!tpu.dma_semaphore, #tpu.memory_space<semaphore_mem>>
      %dma_wait3A_426 = tpu.memref_squeeze %dma_wait3A_425 : memref<1x!tpu.dma_semaphore, #tpu.memory_space<semaphore_mem>> -> memref<!tpu.dma_semaphore, #tpu.memory_space<semaphore_mem>>
      %dma_wait3A_427 = arith.constant 0 : i32
      %dma_wait3A_428 = arith.constant 0 : i32
      %dma_wait3A_429 = tpu.memref_slice %arg11[%dma_wait3A_416, %dma_wait3A_427, %dma_wait3A_428] : memref<2x128x128xf32, #tpu.memory_space<vmem>> -> memref<1x128x128xf32, #tpu.memory_space<vmem>>
      %dma_wait3A_430 = tpu.memref_squeeze %dma_wait3A_429 : memref<1x128x128xf32, #tpu.memory_space<vmem>> -> memref<128x128xf32, #tpu.memory_space<vmem>>
      %dma_wait3A_431 = arith.constant 0 : i32
      %dma_wait3A_432 = arith.constant 0 : i32
      %dma_wait3A_433 = tpu.memref_slice %arg3[%dma_wait3A_431, %dma_wait3A_432] : memref<10000x128xf32, #tpu.memory_space<hbm>> -> memref<128x128xf32, #tpu.memory_space<hbm>>
      tpu.wait_dma2 semaphore(%dma_wait3A_426 : memref<!tpu.dma_semaphore, #tpu.memory_space<semaphore_mem>>) src(%dma_wait3A_433 : memref<128x128xf32, #tpu.memory_space<hbm>>) dst(%dma_wait3A_430 : memref<128x128xf32, #tpu.memory_space<vmem>>)
      %add3A_434 = arith.constant 1 : i32
      %add3A_435 = arith.addi %mul3A_322, %add3A_434 : i32
      %add3A_436 = arith.addi %select_n3A_8, %add3A_435 : i32
      %mul3A_437 = arith.constant 128 : i32
      %mul3A_438 = arith.muli %add3A_436, %mul3A_437 : i32
      %dma_start3A_439 = arith.constant 1 : i32
      %dma_start3A_440 = arith.constant 1 : i32
      %dma_start3A_441 = arith.constant 0 : i32
      %dma_start3A_442 = arith.constant 0 : i32
      %dma_start3A_443 = tpu.memref_slice %arg10[%dma_start3A_439, %dma_start3A_441, %dma_start3A_442] : memref<2x128x128xf32, #tpu.memory_space<vmem>> -> memref<1x128x128xf32, #tpu.memory_space<vmem>>
      %dma_start3A_444 = tpu.memref_squeeze %dma_start3A_443 : memref<1x128x128xf32, #tpu.memory_space<vmem>> -> memref<128x128xf32, #tpu.memory_space<vmem>>
      %dma_start3A_445 = arith.constant 0 : i32
      %dma_start3A_446 = tpu.memref_slice %arg6[%mul3A_438, %dma_start3A_445] : memref<163840x128xf32, #tpu.memory_space<hbm>> -> memref<128x128xf32, #tpu.memory_space<hbm>>
      %dma_start3A_447 = tpu.memref_slice %arg13[%dma_start3A_440] : memref<2x!tpu.dma_semaphore, #tpu.memory_space<semaphore_mem>> -> memref<1x!tpu.dma_semaphore, #tpu.memory_space<semaphore_mem>>
      %dma_start3A_448 = tpu.memref_squeeze %dma_start3A_447 : memref<1x!tpu.dma_semaphore, #tpu.memory_space<semaphore_mem>> -> memref<!tpu.dma_semaphore, #tpu.memory_space<semaphore_mem>>
      %dma_start3A_449 = arith.constant 0 : i32
      %dma_start3A_450 = tpu.memref_slice %arg6[%mul3A_438, %dma_start3A_449] : memref<163840x128xf32, #tpu.memory_space<hbm>> -> memref<128x128xf32, #tpu.memory_space<hbm>>
      %dma_start3A_451 = arith.constant 0 : i32
      %dma_start3A_452 = arith.constant 0 : i32
      %dma_start3A_453 = tpu.memref_slice %arg10[%dma_start3A_439, %dma_start3A_451, %dma_start3A_452] : memref<2x128x128xf32, #tpu.memory_space<vmem>> -> memref<1x128x128xf32, #tpu.memory_space<vmem>>
      %dma_start3A_454 = tpu.memref_squeeze %dma_start3A_453 : memref<1x128x128xf32, #tpu.memory_space<vmem>> -> memref<128x128xf32, #tpu.memory_space<vmem>>
      tpu.enqueue_dma source(%dma_start3A_454 : memref<128x128xf32, #tpu.memory_space<vmem>>) target(%dma_start3A_450 : memref<128x128xf32, #tpu.memory_space<hbm>>) target_semaphore(%dma_start3A_448 : memref<!tpu.dma_semaphore, #tpu.memory_space<semaphore_mem>>)
      %mul3A_455 = arith.constant 128 : i32
      %mul3A_456 = arith.muli %add3A_436, %mul3A_455 : i32
      %dma_start3A_457 = arith.constant 1 : i32
      %dma_start3A_458 = arith.constant 1 : i32
      %dma_start3A_459 = arith.constant 0 : i32
      %dma_start3A_460 = arith.constant 0 : i32
      %dma_start3A_461 = tpu.memref_slice %arg11[%dma_start3A_457, %dma_start3A_459, %dma_start3A_460] : memref<2x128x128xf32, #tpu.memory_space<vmem>> -> memref<1x128x128xf32, #tpu.memory_space<vmem>>
      %dma_start3A_462 = tpu.memref_squeeze %dma_start3A_461 : memref<1x128x128xf32, #tpu.memory_space<vmem>> -> memref<128x128xf32, #tpu.memory_space<vmem>>
      %dma_start3A_463 = arith.constant 0 : i32
      %dma_start3A_464 = tpu.memref_slice %arg7[%mul3A_456, %dma_start3A_463] : memref<163840x128xf32, #tpu.memory_space<hbm>> -> memref<128x128xf32, #tpu.memory_space<hbm>>
      %dma_start3A_465 = tpu.memref_slice %arg15[%dma_start3A_458] : memref<2x!tpu.dma_semaphore, #tpu.memory_space<semaphore_mem>> -> memref<1x!tpu.dma_semaphore, #tpu.memory_space<semaphore_mem>>
      %dma_start3A_466 = tpu.memref_squeeze %dma_start3A_465 : memref<1x!tpu.dma_semaphore, #tpu.memory_space<semaphore_mem>> -> memref<!tpu.dma_semaphore, #tpu.memory_space<semaphore_mem>>
      %dma_start3A_467 = arith.constant 0 : i32
      %dma_start3A_468 = tpu.memref_slice %arg7[%mul3A_456, %dma_start3A_467] : memref<163840x128xf32, #tpu.memory_space<hbm>> -> memref<128x128xf32, #tpu.memory_space<hbm>>
      %dma_start3A_469 = arith.constant 0 : i32
      %dma_start3A_470 = arith.constant 0 : i32
      %dma_start3A_471 = tpu.memref_slice %arg11[%dma_start3A_457, %dma_start3A_469, %dma_start3A_470] : memref<2x128x128xf32, #tpu.memory_space<vmem>> -> memref<1x128x128xf32, #tpu.memory_space<vmem>>
      %dma_start3A_472 = tpu.memref_squeeze %dma_start3A_471 : memref<1x128x128xf32, #tpu.memory_space<vmem>> -> memref<128x128xf32, #tpu.memory_space<vmem>>
      tpu.enqueue_dma source(%dma_start3A_472 : memref<128x128xf32, #tpu.memory_space<vmem>>) target(%dma_start3A_468 : memref<128x128xf32, #tpu.memory_space<hbm>>) target_semaphore(%dma_start3A_466 : memref<!tpu.dma_semaphore, #tpu.memory_space<semaphore_mem>>)
      %dma_wait3A_473 = arith.constant 0 : i32
      %dma_wait3A_474 = arith.constant 0 : i32
      %dma_wait3A_475 = arith.constant 0 : i32
      %dma_wait3A_476 = arith.constant 0 : i32
      %dma_wait3A_477 = tpu.memref_slice %arg10[%dma_wait3A_473, %dma_wait3A_475, %dma_wait3A_476] : memref<2x128x128xf32, #tpu.memory_space<vmem>> -> memref<1x128x128xf32, #tpu.memory_space<vmem>>
      %dma_wait3A_478 = tpu.memref_squeeze %dma_wait3A_477 : memref<1x128x128xf32, #tpu.memory_space<vmem>> -> memref<128x128xf32, #tpu.memory_space<vmem>>
      %dma_wait3A_479 = arith.constant 0 : i32
      %dma_wait3A_480 = arith.constant 0 : i32
      %dma_wait3A_481 = tpu.memref_slice %arg6[%dma_wait3A_479, %dma_wait3A_480] : memref<163840x128xf32, #tpu.memory_space<hbm>> -> memref<128x128xf32, #tpu.memory_space<hbm>>
      %dma_wait3A_482 = tpu.memref_slice %arg13[%dma_wait3A_474] : memref<2x!tpu.dma_semaphore, #tpu.memory_space<semaphore_mem>> -> memref<1x!tpu.dma_semaphore, #tpu.memory_space<semaphore_mem>>
      %dma_wait3A_483 = tpu.memref_squeeze %dma_wait3A_482 : memref<1x!tpu.dma_semaphore, #tpu.memory_space<semaphore_mem>> -> memref<!tpu.dma_semaphore, #tpu.memory_space<semaphore_mem>>
      %dma_wait3A_484 = arith.constant 0 : i32
      %dma_wait3A_485 = arith.constant 0 : i32
      %dma_wait3A_486 = tpu.memref_slice %arg6[%dma_wait3A_484, %dma_wait3A_485] : memref<163840x128xf32, #tpu.memory_space<hbm>> -> memref<128x128xf32, #tpu.memory_space<hbm>>
      %dma_wait3A_487 = arith.constant 0 : i32
      %dma_wait3A_488 = arith.constant 0 : i32
      %dma_wait3A_489 = tpu.memref_slice %arg10[%dma_wait3A_473, %dma_wait3A_487, %dma_wait3A_488] : memref<2x128x128xf32, #tpu.memory_space<vmem>> -> memref<1x128x128xf32, #tpu.memory_space<vmem>>
      %dma_wait3A_490 = tpu.memref_squeeze %dma_wait3A_489 : memref<1x128x128xf32, #tpu.memory_space<vmem>> -> memref<128x128xf32, #tpu.memory_space<vmem>>
      tpu.wait_dma2 semaphore(%dma_wait3A_483 : memref<!tpu.dma_semaphore, #tpu.memory_space<semaphore_mem>>) src(%dma_wait3A_490 : memref<128x128xf32, #tpu.memory_space<vmem>>) dst(%dma_wait3A_486 : memref<128x128xf32, #tpu.memory_space<hbm>>)
      %dma_wait3A_491 = arith.constant 0 : i32
      %dma_wait3A_492 = arith.constant 0 : i32
      %dma_wait3A_493 = arith.constant 0 : i32
      %dma_wait3A_494 = arith.constant 0 : i32
      %dma_wait3A_495 = tpu.memref_slice %arg11[%dma_wait3A_491, %dma_wait3A_493, %dma_wait3A_494] : memref<2x128x128xf32, #tpu.memory_space<vmem>> -> memref<1x128x128xf32, #tpu.memory_space<vmem>>
      %dma_wait3A_496 = tpu.memref_squeeze %dma_wait3A_495 : memref<1x128x128xf32, #tpu.memory_space<vmem>> -> memref<128x128xf32, #tpu.memory_space<vmem>>
      %dma_wait3A_497 = arith.constant 0 : i32
      %dma_wait3A_498 = arith.constant 0 : i32
      %dma_wait3A_499 = tpu.memref_slice %arg7[%dma_wait3A_497, %dma_wait3A_498] : memref<163840x128xf32, #tpu.memory_space<hbm>> -> memref<128x128xf32, #tpu.memory_space<hbm>>
      %dma_wait3A_500 = tpu.memref_slice %arg15[%dma_wait3A_492] : memref<2x!tpu.dma_semaphore, #tpu.memory_space<semaphore_mem>> -> memref<1x!tpu.dma_semaphore, #tpu.memory_space<semaphore_mem>>
      %dma_wait3A_501 = tpu.memref_squeeze %dma_wait3A_500 : memref<1x!tpu.dma_semaphore, #tpu.memory_space<semaphore_mem>> -> memref<!tpu.dma_semaphore, #tpu.memory_space<semaphore_mem>>
      %dma_wait3A_502 = arith.constant 0 : i32
      %dma_wait3A_503 = arith.constant 0 : i32
      %dma_wait3A_504 = tpu.memref_slice %arg7[%dma_wait3A_502, %dma_wait3A_503] : memref<163840x128xf32, #tpu.memory_space<hbm>> -> memref<128x128xf32, #tpu.memory_space<hbm>>
      %dma_wait3A_505 = arith.constant 0 : i32
      %dma_wait3A_506 = arith.constant 0 : i32
      %dma_wait3A_507 = tpu.memref_slice %arg11[%dma_wait3A_491, %dma_wait3A_505, %dma_wait3A_506] : memref<2x128x128xf32, #tpu.memory_space<vmem>> -> memref<1x128x128xf32, #tpu.memory_space<vmem>>
      %dma_wait3A_508 = tpu.memref_squeeze %dma_wait3A_507 : memref<1x128x128xf32, #tpu.memory_space<vmem>> -> memref<128x128xf32, #tpu.memory_space<vmem>>
      tpu.wait_dma2 semaphore(%dma_wait3A_501 : memref<!tpu.dma_semaphore, #tpu.memory_space<semaphore_mem>>) src(%dma_wait3A_508 : memref<128x128xf32, #tpu.memory_space<vmem>>) dst(%dma_wait3A_504 : memref<128x128xf32, #tpu.memory_space<hbm>>)
      %add3A_509 = arith.constant 0 : i32
      %add3A_510 = arith.addi %mul3A_322, %add3A_509 : i32
      %add3A_511 = arith.constant 2 : i32
      %add3A_512 = arith.addi %add3A_510, %add3A_511 : i32
      %dma_start3A_513 = arith.constant 0 : i32
      %dma_start3A_514 = arith.constant 0 : i32
      %dma_start3A_515 = arith.constant 0 : i32
      %dma_start3A_516 = arith.constant 0 : i32
      %dma_start3A_517 = tpu.memref_slice %arg10[%dma_start3A_513, %dma_start3A_515, %dma_start3A_516] : memref<2x128x128xf32, #tpu.memory_space<vmem>> -> memref<1x128x128xf32, #tpu.memory_space<vmem>>
      %dma_start3A_518 = tpu.memref_squeeze %dma_start3A_517 : memref<1x128x128xf32, #tpu.memory_space<vmem>> -> memref<128x128xf32, #tpu.memory_space<vmem>>
      %dma_start3A_519 = arith.constant 0 : i32
      %dma_start3A_520 = tpu.memref_slice %arg8[%add3A_512, %dma_start3A_519] : memref<40x128xi32, #tpu.memory_space<vmem>> -> memref<1x128xi32, #tpu.memory_space<vmem>>
      %dma_start3A_521 = tpu.memref_squeeze %dma_start3A_520 : memref<1x128xi32, #tpu.memory_space<vmem>> -> memref<128xi32, #tpu.memory_space<vmem>>
      %dma_start3A_522 = arith.constant 0 : i32
      %dma_start3A_523 = arith.constant 0 : i32
      %dma_start3A_524 = tpu.memref_slice %arg2[%dma_start3A_522, %dma_start3A_523] : memref<10000x128xf32, #tpu.memory_space<hbm>> -> memref<10000x128xf32, #tpu.memory_space<hbm>>
      %dma_start3A_525 = tpu.memref_slice %arg12[%dma_start3A_514] : memref<2x!tpu.dma_semaphore, #tpu.memory_space<semaphore_mem>> -> memref<1x!tpu.dma_semaphore, #tpu.memory_space<semaphore_mem>>
      %dma_start3A_526 = tpu.memref_squeeze %dma_start3A_525 : memref<1x!tpu.dma_semaphore, #tpu.memory_space<semaphore_mem>> -> memref<!tpu.dma_semaphore, #tpu.memory_space<semaphore_mem>>
      tpu.enqueue_indirect_dma source(%dma_start3A_524 : memref<10000x128xf32, #tpu.memory_space<hbm>>) target(%dma_start3A_518 : memref<128x128xf32, #tpu.memory_space<vmem>>) offsets(%dma_start3A_521 : memref<128xi32, #tpu.memory_space<vmem>>) semaphore(%dma_start3A_526 : memref<!tpu.dma_semaphore, #tpu.memory_space<semaphore_mem>>)
      %dma_start3A_527 = arith.constant 0 : i32
      %dma_start3A_528 = arith.constant 0 : i32
      %dma_start3A_529 = arith.constant 0 : i32
      %dma_start3A_530 = arith.constant 0 : i32
      %dma_start3A_531 = tpu.memref_slice %arg11[%dma_start3A_527, %dma_start3A_529, %dma_start3A_530] : memref<2x128x128xf32, #tpu.memory_space<vmem>> -> memref<1x128x128xf32, #tpu.memory_space<vmem>>
      %dma_start3A_532 = tpu.memref_squeeze %dma_start3A_531 : memref<1x128x128xf32, #tpu.memory_space<vmem>> -> memref<128x128xf32, #tpu.memory_space<vmem>>
      %dma_start3A_533 = arith.constant 0 : i32
      %dma_start3A_534 = tpu.memref_slice %arg9[%add3A_512, %dma_start3A_533] : memref<40x128xi32, #tpu.memory_space<vmem>> -> memref<1x128xi32, #tpu.memory_space<vmem>>
      %dma_start3A_535 = tpu.memref_squeeze %dma_start3A_534 : memref<1x128xi32, #tpu.memory_space<vmem>> -> memref<128xi32, #tpu.memory_space<vmem>>
      %dma_start3A_536 = arith.constant 0 : i32
      %dma_start3A_537 = arith.constant 0 : i32
      %dma_start3A_538 = tpu.memref_slice %arg3[%dma_start3A_536, %dma_start3A_537] : memref<10000x128xf32, #tpu.memory_space<hbm>> -> memref<10000x128xf32, #tpu.memory_space<hbm>>
      %dma_start3A_539 = tpu.memref_slice %arg14[%dma_start3A_528] : memref<2x!tpu.dma_semaphore, #tpu.memory_space<semaphore_mem>> -> memref<1x!tpu.dma_semaphore, #tpu.memory_space<semaphore_mem>>
      %dma_start3A_540 = tpu.memref_squeeze %dma_start3A_539 : memref<1x!tpu.dma_semaphore, #tpu.memory_space<semaphore_mem>> -> memref<!tpu.dma_semaphore, #tpu.memory_space<semaphore_mem>>
      tpu.enqueue_indirect_dma source(%dma_start3A_538 : memref<10000x128xf32, #tpu.memory_space<hbm>>) target(%dma_start3A_532 : memref<128x128xf32, #tpu.memory_space<vmem>>) offsets(%dma_start3A_535 : memref<128xi32, #tpu.memory_space<vmem>>) semaphore(%dma_start3A_540 : memref<!tpu.dma_semaphore, #tpu.memory_space<semaphore_mem>>)
      %dma_wait3A_541 = arith.constant 1 : i32
      %dma_wait3A_542 = arith.constant 1 : i32
      %dma_wait3A_543 = arith.constant 0 : i32
      %dma_wait3A_544 = arith.constant 0 : i32
      %dma_wait3A_545 = tpu.memref_slice %arg10[%dma_wait3A_541, %dma_wait3A_543, %dma_wait3A_544] : memref<2x128x128xf32, #tpu.memory_space<vmem>> -> memref<1x128x128xf32, #tpu.memory_space<vmem>>
      %dma_wait3A_546 = tpu.memref_squeeze %dma_wait3A_545 : memref<1x128x128xf32, #tpu.memory_space<vmem>> -> memref<128x128xf32, #tpu.memory_space<vmem>>
      %dma_wait3A_547 = arith.constant 0 : i32
      %dma_wait3A_548 = arith.constant 0 : i32
      %dma_wait3A_549 = tpu.memref_slice %arg6[%dma_wait3A_547, %dma_wait3A_548] : memref<163840x128xf32, #tpu.memory_space<hbm>> -> memref<128x128xf32, #tpu.memory_space<hbm>>
      %dma_wait3A_550 = tpu.memref_slice %arg13[%dma_wait3A_542] : memref<2x!tpu.dma_semaphore, #tpu.memory_space<semaphore_mem>> -> memref<1x!tpu.dma_semaphore, #tpu.memory_space<semaphore_mem>>
      %dma_wait3A_551 = tpu.memref_squeeze %dma_wait3A_550 : memref<1x!tpu.dma_semaphore, #tpu.memory_space<semaphore_mem>> -> memref<!tpu.dma_semaphore, #tpu.memory_space<semaphore_mem>>
      %dma_wait3A_552 = arith.constant 0 : i32
      %dma_wait3A_553 = arith.constant 0 : i32
      %dma_wait3A_554 = tpu.memref_slice %arg6[%dma_wait3A_552, %dma_wait3A_553] : memref<163840x128xf32, #tpu.memory_space<hbm>> -> memref<128x128xf32, #tpu.memory_space<hbm>>
      %dma_wait3A_555 = arith.constant 0 : i32
      %dma_wait3A_556 = arith.constant 0 : i32
      %dma_wait3A_557 = tpu.memref_slice %arg10[%dma_wait3A_541, %dma_wait3A_555, %dma_wait3A_556] : memref<2x128x128xf32, #tpu.memory_space<vmem>> -> memref<1x128x128xf32, #tpu.memory_space<vmem>>
      %dma_wait3A_558 = tpu.memref_squeeze %dma_wait3A_557 : memref<1x128x128xf32, #tpu.memory_space<vmem>> -> memref<128x128xf32, #tpu.memory_space<vmem>>
      tpu.wait_dma2 semaphore(%dma_wait3A_551 : memref<!tpu.dma_semaphore, #tpu.memory_space<semaphore_mem>>) src(%dma_wait3A_558 : memref<128x128xf32, #tpu.memory_space<vmem>>) dst(%dma_wait3A_554 : memref<128x128xf32, #tpu.memory_space<hbm>>)
      %dma_wait3A_559 = arith.constant 1 : i32
      %dma_wait3A_560 = arith.constant 1 : i32
      %dma_wait3A_561 = arith.constant 0 : i32
      %dma_wait3A_562 = arith.constant 0 : i32
      %dma_wait3A_563 = tpu.memref_slice %arg11[%dma_wait3A_559, %dma_wait3A_561, %dma_wait3A_562] : memref<2x128x128xf32, #tpu.memory_space<vmem>> -> memref<1x128x128xf32, #tpu.memory_space<vmem>>
      %dma_wait3A_564 = tpu.memref_squeeze %dma_wait3A_563 : memref<1x128x128xf32, #tpu.memory_space<vmem>> -> memref<128x128xf32, #tpu.memory_space<vmem>>
      %dma_wait3A_565 = arith.constant 0 : i32
      %dma_wait3A_566 = arith.constant 0 : i32
      %dma_wait3A_567 = tpu.memref_slice %arg7[%dma_wait3A_565, %dma_wait3A_566] : memref<163840x128xf32, #tpu.memory_space<hbm>> -> memref<128x128xf32, #tpu.memory_space<hbm>>
      %dma_wait3A_568 = tpu.memref_slice %arg15[%dma_wait3A_560] : memref<2x!tpu.dma_semaphore, #tpu.memory_space<semaphore_mem>> -> memref<1x!tpu.dma_semaphore, #tpu.memory_space<semaphore_mem>>
      %dma_wait3A_569 = tpu.memref_squeeze %dma_wait3A_568 : memref<1x!tpu.dma_semaphore, #tpu.memory_space<semaphore_mem>> -> memref<!tpu.dma_semaphore, #tpu.memory_space<semaphore_mem>>
      %dma_wait3A_570 = arith.constant 0 : i32
      %dma_wait3A_571 = arith.constant 0 : i32
      %dma_wait3A_572 = tpu.memref_slice %arg7[%dma_wait3A_570, %dma_wait3A_571] : memref<163840x128xf32, #tpu.memory_space<hbm>> -> memref<128x128xf32, #tpu.memory_space<hbm>>
      %dma_wait3A_573 = arith.constant 0 : i32
      %dma_wait3A_574 = arith.constant 0 : i32
      %dma_wait3A_575 = tpu.memref_slice %arg11[%dma_wait3A_559, %dma_wait3A_573, %dma_wait3A_574] : memref<2x128x128xf32, #tpu.memory_space<vmem>> -> memref<1x128x128xf32, #tpu.memory_space<vmem>>
      %dma_wait3A_576 = tpu.memref_squeeze %dma_wait3A_575 : memref<1x128x128xf32, #tpu.memory_space<vmem>> -> memref<128x128xf32, #tpu.memory_space<vmem>>
      tpu.wait_dma2 semaphore(%dma_wait3A_569 : memref<!tpu.dma_semaphore, #tpu.memory_space<semaphore_mem>>) src(%dma_wait3A_576 : memref<128x128xf32, #tpu.memory_space<vmem>>) dst(%dma_wait3A_572 : memref<128x128xf32, #tpu.memory_space<hbm>>)
      %add3A_577 = arith.constant 1 : i32
      %add3A_578 = arith.addi %mul3A_322, %add3A_577 : i32
      %add3A_579 = arith.constant 2 : i32
      %add3A_580 = arith.addi %add3A_578, %add3A_579 : i32
      %dma_start3A_581 = arith.constant 1 : i32
      %dma_start3A_582 = arith.constant 1 : i32
      %dma_start3A_583 = arith.constant 0 : i32
      %dma_start3A_584 = arith.constant 0 : i32
      %dma_start3A_585 = tpu.memref_slice %arg10[%dma_start3A_581, %dma_start3A_583, %dma_start3A_584] : memref<2x128x128xf32, #tpu.memory_space<vmem>> -> memref<1x128x128xf32, #tpu.memory_space<vmem>>
      %dma_start3A_586 = tpu.memref_squeeze %dma_start3A_585 : memref<1x128x128xf32, #tpu.memory_space<vmem>> -> memref<128x128xf32, #tpu.memory_space<vmem>>
      %dma_start3A_587 = arith.constant 0 : i32
      %dma_start3A_588 = tpu.memref_slice %arg8[%add3A_580, %dma_start3A_587] : memref<40x128xi32, #tpu.memory_space<vmem>> -> memref<1x128xi32, #tpu.memory_space<vmem>>
      %dma_start3A_589 = tpu.memref_squeeze %dma_start3A_588 : memref<1x128xi32, #tpu.memory_space<vmem>> -> memref<128xi32, #tpu.memory_space<vmem>>
      %dma_start3A_590 = arith.constant 0 : i32
      %dma_start3A_591 = arith.constant 0 : i32
      %dma_start3A_592 = tpu.memref_slice %arg2[%dma_start3A_590, %dma_start3A_591] : memref<10000x128xf32, #tpu.memory_space<hbm>> -> memref<10000x128xf32, #tpu.memory_space<hbm>>
      %dma_start3A_593 = tpu.memref_slice %arg12[%dma_start3A_582] : memref<2x!tpu.dma_semaphore, #tpu.memory_space<semaphore_mem>> -> memref<1x!tpu.dma_semaphore, #tpu.memory_space<semaphore_mem>>
      %dma_start3A_594 = tpu.memref_squeeze %dma_start3A_593 : memref<1x!tpu.dma_semaphore, #tpu.memory_space<semaphore_mem>> -> memref<!tpu.dma_semaphore, #tpu.memory_space<semaphore_mem>>
      tpu.enqueue_indirect_dma source(%dma_start3A_592 : memref<10000x128xf32, #tpu.memory_space<hbm>>) target(%dma_start3A_586 : memref<128x128xf32, #tpu.memory_space<vmem>>) offsets(%dma_start3A_589 : memref<128xi32, #tpu.memory_space<vmem>>) semaphore(%dma_start3A_594 : memref<!tpu.dma_semaphore, #tpu.memory_space<semaphore_mem>>)
      %dma_start3A_595 = arith.constant 1 : i32
      %dma_start3A_596 = arith.constant 1 : i32
      %dma_start3A_597 = arith.constant 0 : i32
      %dma_start3A_598 = arith.constant 0 : i32
      %dma_start3A_599 = tpu.memref_slice %arg11[%dma_start3A_595, %dma_start3A_597, %dma_start3A_598] : memref<2x128x128xf32, #tpu.memory_space<vmem>> -> memref<1x128x128xf32, #tpu.memory_space<vmem>>
      %dma_start3A_600 = tpu.memref_squeeze %dma_start3A_599 : memref<1x128x128xf32, #tpu.memory_space<vmem>> -> memref<128x128xf32, #tpu.memory_space<vmem>>
      %dma_start3A_601 = arith.constant 0 : i32
      %dma_start3A_602 = tpu.memref_slice %arg9[%add3A_580, %dma_start3A_601] : memref<40x128xi32, #tpu.memory_space<vmem>> -> memref<1x128xi32, #tpu.memory_space<vmem>>
      %dma_start3A_603 = tpu.memref_squeeze %dma_start3A_602 : memref<1x128xi32, #tpu.memory_space<vmem>> -> memref<128xi32, #tpu.memory_space<vmem>>
      %dma_start3A_604 = arith.constant 0 : i32
      %dma_start3A_605 = arith.constant 0 : i32
      %dma_start3A_606 = tpu.memref_slice %arg3[%dma_start3A_604, %dma_start3A_605] : memref<10000x128xf32, #tpu.memory_space<hbm>> -> memref<10000x128xf32, #tpu.memory_space<hbm>>
      %dma_start3A_607 = tpu.memref_slice %arg14[%dma_start3A_596] : memref<2x!tpu.dma_semaphore, #tpu.memory_space<semaphore_mem>> -> memref<1x!tpu.dma_semaphore, #tpu.memory_space<semaphore_mem>>
      %dma_start3A_608 = tpu.memref_squeeze %dma_start3A_607 : memref<1x!tpu.dma_semaphore, #tpu.memory_space<semaphore_mem>> -> memref<!tpu.dma_semaphore, #tpu.memory_space<semaphore_mem>>
      tpu.enqueue_indirect_dma source(%dma_start3A_606 : memref<10000x128xf32, #tpu.memory_space<hbm>>) target(%dma_start3A_600 : memref<128x128xf32, #tpu.memory_space<vmem>>) offsets(%dma_start3A_603 : memref<128xi32, #tpu.memory_space<vmem>>) semaphore(%dma_start3A_608 : memref<!tpu.dma_semaphore, #tpu.memory_space<semaphore_mem>>)
    }
    %while3A_96 = arith.constant 1 : i32
    scf.for %while3A_320 = %while3A_94 to %while3A_90 step %while3A_96  : i32 {
      %mul3A_321 = arith.constant 2 : i32
      %mul3A_322 = arith.muli %while3A_320, %mul3A_321 : i32
      %dma_wait3A_323 = arith.constant 0 : i32
      %dma_wait3A_324 = arith.constant 0 : i32
      %dma_wait3A_325 = arith.constant 0 : i32
      %dma_wait3A_326 = arith.constant 0 : i32
      %dma_wait3A_327 = tpu.memref_slice %arg10[%dma_wait3A_323, %dma_wait3A_325, %dma_wait3A_326] : memref<2x128x128xf32, #tpu.memory_space<vmem>> -> memref<1x128x128xf32, #tpu.memory_space<vmem>>
      %dma_wait3A_328 = tpu.memref_squeeze %dma_wait3A_327 : memref<1x128x128xf32, #tpu.memory_space<vmem>> -> memref<128x128xf32, #tpu.memory_space<vmem>>
      %dma_wait3A_329 = arith.constant 0 : i32
      %dma_wait3A_330 = arith.constant 0 : i32
      %dma_wait3A_331 = tpu.memref_slice %arg2[%dma_wait3A_329, %dma_wait3A_330] : memref<10000x128xf32, #tpu.memory_space<hbm>> -> memref<128x128xf32, #tpu.memory_space<hbm>>
      %dma_wait3A_332 = tpu.memref_slice %arg12[%dma_wait3A_324] : memref<2x!tpu.dma_semaphore, #tpu.memory_space<semaphore_mem>> -> memref<1x!tpu.dma_semaphore, #tpu.memory_space<semaphore_mem>>
      %dma_wait3A_333 = tpu.memref_squeeze %dma_wait3A_332 : memref<1x!tpu.dma_semaphore, #tpu.memory_space<semaphore_mem>> -> memref<!tpu.dma_semaphore, #tpu.memory_space<semaphore_mem>>
      %dma_wait3A_334 = arith.constant 0 : i32
      %dma_wait3A_335 = arith.constant 0 : i32
      %dma_wait3A_336 = tpu.memref_slice %arg10[%dma_wait3A_323, %dma_wait3A_334, %dma_wait3A_335] : memref<2x128x128xf32, #tpu.memory_space<vmem>> -> memref<1x128x128xf32, #tpu.memory_space<vmem>>
      %dma_wait3A_337 = tpu.memref_squeeze %dma_wait3A_336 : memref<1x128x128xf32, #tpu.memory_space<vmem>> -> memref<128x128xf32, #tpu.memory_space<vmem>>
      %dma_wait3A_338 = arith.constant 0 : i32
      %dma_wait3A_339 = arith.constant 0 : i32
      %dma_wait3A_340 = tpu.memref_slice %arg2[%dma_wait3A_338, %dma_wait3A_339] : memref<10000x128xf32, #tpu.memory_space<hbm>> -> memref<128x128xf32, #tpu.memory_space<hbm>>
      tpu.wait_dma2 semaphore(%dma_wait3A_333 : memref<!tpu.dma_semaphore, #tpu.memory_space<semaphore_mem>>) src(%dma_wait3A_340 : memref<128x128xf32, #tpu.memory_space<hbm>>) dst(%dma_wait3A_337 : memref<128x128xf32, #tpu.memory_space<vmem>>)
      %dma_wait3A_341 = arith.constant 0 : i32
      %dma_wait3A_342 = arith.constant 0 : i32
      %dma_wait3A_343 = arith.constant 0 : i32
      %dma_wait3A_344 = arith.constant 0 : i32
      %dma_wait3A_345 = tpu.memref_slice %arg11[%dma_wait3A_341, %dma_wait3A_343, %dma_wait3A_344] : memref<2x128x128xf32, #tpu.memory_space<vmem>> -> memref<1x128x128xf32, #tpu.memory_space<vmem>>
      %dma_wait3A_346 = tpu.memref_squeeze %dma_wait3A_345 : memref<1x128x128xf32, #tpu.memory_space<vmem>> -> memref<128x128xf32, #tpu.memory_space<vmem>>
      %dma_wait3A_347 = arith.constant 0 : i32
      %dma_wait3A_348 = arith.constant 0 : i32
      %dma_wait3A_349 = tpu.memref_slice %arg3[%dma_wait3A_347, %dma_wait3A_348] : memref<10000x128xf32, #tpu.memory_space<hbm>> -> memref<128x128xf32, #tpu.memory_space<hbm>>
      %dma_wait3A_350 = tpu.memref_slice %arg14[%dma_wait3A_342] : memref<2x!tpu.dma_semaphore, #tpu.memory_space<semaphore_mem>> -> memref<1x!tpu.dma_semaphore, #tpu.memory_space<semaphore_mem>>
      %dma_wait3A_351 = tpu.memref_squeeze %dma_wait3A_350 : memref<1x!tpu.dma_semaphore, #tpu.memory_space<semaphore_mem>> -> memref<!tpu.dma_semaphore, #tpu.memory_space<semaphore_mem>>
      %dma_wait3A_352 = arith.constant 0 : i32
      %dma_wait3A_353 = arith.constant 0 : i32
      %dma_wait3A_354 = tpu.memref_slice %arg11[%dma_wait3A_341, %dma_wait3A_352, %dma_wait3A_353] : memref<2x128x128xf32, #tpu.memory_space<vmem>> -> memref<1x128x128xf32, #tpu.memory_space<vmem>>
      %dma_wait3A_355 = tpu.memref_squeeze %dma_wait3A_354 : memref<1x128x128xf32, #tpu.memory_space<vmem>> -> memref<128x128xf32, #tpu.memory_space<vmem>>
      %dma_wait3A_356 = arith.constant 0 : i32
      %dma_wait3A_357 = arith.constant 0 : i32
      %dma_wait3A_358 = tpu.memref_slice %arg3[%dma_wait3A_356, %dma_wait3A_357] : memref<10000x128xf32, #tpu.memory_space<hbm>> -> memref<128x128xf32, #tpu.memory_space<hbm>>
      tpu.wait_dma2 semaphore(%dma_wait3A_351 : memref<!tpu.dma_semaphore, #tpu.memory_space<semaphore_mem>>) src(%dma_wait3A_358 : memref<128x128xf32, #tpu.memory_space<hbm>>) dst(%dma_wait3A_355 : memref<128x128xf32, #tpu.memory_space<vmem>>)
      %add3A_359 = arith.constant 0 : i32
      %add3A_360 = arith.addi %mul3A_322, %add3A_359 : i32
      %add3A_361 = arith.addi %select_n3A_8, %add3A_360 : i32
      %mul3A_362 = arith.constant 128 : i32
      %mul3A_363 = arith.muli %add3A_361, %mul3A_362 : i32
      %dma_start3A_364 = arith.constant 0 : i32
      %dma_start3A_365 = arith.constant 0 : i32
      %dma_start3A_366 = arith.constant 0 : i32
      %dma_start3A_367 = arith.constant 0 : i32
      %dma_start3A_368 = tpu.memref_slice %arg10[%dma_start3A_364, %dma_start3A_366, %dma_start3A_367] : memref<2x128x128xf32, #tpu.memory_space<vmem>> -> memref<1x128x128xf32, #tpu.memory_space<vmem>>
      %dma_start3A_369 = tpu.memref_squeeze %dma_start3A_368 : memref<1x128x128xf32, #tpu.memory_space<vmem>> -> memref<128x128xf32, #tpu.memory_space<vmem>>
      %dma_start3A_370 = arith.constant 0 : i32
      %dma_start3A_371 = tpu.memref_slice %arg6[%mul3A_363, %dma_start3A_370] : memref<163840x128xf32, #tpu.memory_space<hbm>> -> memref<128x128xf32, #tpu.memory_space<hbm>>
      %dma_start3A_372 = tpu.memref_slice %arg13[%dma_start3A_365] : memref<2x!tpu.dma_semaphore, #tpu.memory_space<semaphore_mem>> -> memref<1x!tpu.dma_semaphore, #tpu.memory_space<semaphore_mem>>
      %dma_start3A_373 = tpu.memref_squeeze %dma_start3A_372 : memref<1x!tpu.dma_semaphore, #tpu.memory_space<semaphore_mem>> -> memref<!tpu.dma_semaphore, #tpu.memory_space<semaphore_mem>>
      %dma_start3A_374 = arith.constant 0 : i32
      %dma_start3A_375 = tpu.memref_slice %arg6[%mul3A_363, %dma_start3A_374] : memref<163840x128xf32, #tpu.memory_space<hbm>> -> memref<128x128xf32, #tpu.memory_space<hbm>>
      %dma_start3A_376 = arith.constant 0 : i32
      %dma_start3A_377 = arith.constant 0 : i32
      %dma_start3A_378 = tpu.memref_slice %arg10[%dma_start3A_364, %dma_start3A_376, %dma_start3A_377] : memref<2x128x128xf32, #tpu.memory_space<vmem>> -> memref<1x128x128xf32, #tpu.memory_space<vmem>>
      %dma_start3A_379 = tpu.memref_squeeze %dma_start3A_378 : memref<1x128x128xf32, #tpu.memory_space<vmem>> -> memref<128x128xf32, #tpu.memory_space<vmem>>
      tpu.enqueue_dma source(%dma_start3A_379 : memref<128x128xf32, #tpu.memory_space<vmem>>) target(%dma_start3A_375 : memref<128x128xf32, #tpu.memory_space<hbm>>) target_semaphore(%dma_start3A_373 : memref<!tpu.dma_semaphore, #tpu.memory_space<semaphore_mem>>)
      %mul3A_380 = arith.constant 128 : i32
      %mul3A_381 = arith.muli %add3A_361, %mul3A_380 : i32
      %dma_start3A_382 = arith.constant 0 : i32
      %dma_start3A_383 = arith.constant 0 : i32
      %dma_start3A_384 = arith.constant 0 : i32
      %dma_start3A_385 = arith.constant 0 : i32
      %dma_start3A_386 = tpu.memref_slice %arg11[%dma_start3A_382, %dma_start3A_384, %dma_start3A_385] : memref<2x128x128xf32, #tpu.memory_space<vmem>> -> memref<1x128x128xf32, #tpu.memory_space<vmem>>
      %dma_start3A_387 = tpu.memref_squeeze %dma_start3A_386 : memref<1x128x128xf32, #tpu.memory_space<vmem>> -> memref<128x128xf32, #tpu.memory_space<vmem>>
      %dma_start3A_388 = arith.constant 0 : i32
      %dma_start3A_389 = tpu.memref_slice %arg7[%mul3A_381, %dma_start3A_388] : memref<163840x128xf32, #tpu.memory_space<hbm>> -> memref<128x128xf32, #tpu.memory_space<hbm>>
      %dma_start3A_390 = tpu.memref_slice %arg15[%dma_start3A_383] : memref<2x!tpu.dma_semaphore, #tpu.memory_space<semaphore_mem>> -> memref<1x!tpu.dma_semaphore, #tpu.memory_space<semaphore_mem>>
      %dma_start3A_391 = tpu.memref_squeeze %dma_start3A_390 : memref<1x!tpu.dma_semaphore, #tpu.memory_space<semaphore_mem>> -> memref<!tpu.dma_semaphore, #tpu.memory_space<semaphore_mem>>
      %dma_start3A_392 = arith.constant 0 : i32
      %dma_start3A_393 = tpu.memref_slice %arg7[%mul3A_381, %dma_start3A_392] : memref<163840x128xf32, #tpu.memory_space<hbm>> -> memref<128x128xf32, #tpu.memory_space<hbm>>
      %dma_start3A_394 = arith.constant 0 : i32
      %dma_start3A_395 = arith.constant 0 : i32
      %dma_start3A_396 = tpu.memref_slice %arg11[%dma_start3A_382, %dma_start3A_394, %dma_start3A_395] : memref<2x128x128xf32, #tpu.memory_space<vmem>> -> memref<1x128x128xf32, #tpu.memory_space<vmem>>
      %dma_start3A_397 = tpu.memref_squeeze %dma_start3A_396 : memref<1x128x128xf32, #tpu.memory_space<vmem>> -> memref<128x128xf32, #tpu.memory_space<vmem>>
      tpu.enqueue_dma source(%dma_start3A_397 : memref<128x128xf32, #tpu.memory_space<vmem>>) target(%dma_start3A_393 : memref<128x128xf32, #tpu.memory_space<hbm>>) target_semaphore(%dma_start3A_391 : memref<!tpu.dma_semaphore, #tpu.memory_space<semaphore_mem>>)
      %dma_wait3A_398 = arith.constant 1 : i32
      %dma_wait3A_399 = arith.constant 1 : i32
      %dma_wait3A_400 = arith.constant 0 : i32
      %dma_wait3A_401 = arith.constant 0 : i32
      %dma_wait3A_402 = tpu.memref_slice %arg10[%dma_wait3A_398, %dma_wait3A_400, %dma_wait3A_401] : memref<2x128x128xf32, #tpu.memory_space<vmem>> -> memref<1x128x128xf32, #tpu.memory_space<vmem>>
      %dma_wait3A_403 = tpu.memref_squeeze %dma_wait3A_402 : memref<1x128x128xf32, #tpu.memory_space<vmem>> -> memref<128x128xf32, #tpu.memory_space<vmem>>
      %dma_wait3A_404 = arith.constant 0 : i32
      %dma_wait3A_405 = arith.constant 0 : i32
      %dma_wait3A_406 = tpu.memref_slice %arg2[%dma_wait3A_404, %dma_wait3A_405] : memref<10000x128xf32, #tpu.memory_space<hbm>> -> memref<128x128xf32, #tpu.memory_space<hbm>>
      %dma_wait3A_407 = tpu.memref_slice %arg12[%dma_wait3A_399] : memref<2x!tpu.dma_semaphore, #tpu.memory_space<semaphore_mem>> -> memref<1x!tpu.dma_semaphore, #tpu.memory_space<semaphore_mem>>
      %dma_wait3A_408 = tpu.memref_squeeze %dma_wait3A_407 : memref<1x!tpu.dma_semaphore, #tpu.memory_space<semaphore_mem>> -> memref<!tpu.dma_semaphore, #tpu.memory_space<semaphore_mem>>
      %dma_wait3A_409 = arith.constant 0 : i32
      %dma_wait3A_410 = arith.constant 0 : i32
      %dma_wait3A_411 = tpu.memref_slice %arg10[%dma_wait3A_398, %dma_wait3A_409, %dma_wait3A_410] : memref<2x128x128xf32, #tpu.memory_space<vmem>> -> memref<1x128x128xf32, #tpu.memory_space<vmem>>
      %dma_wait3A_412 = tpu.memref_squeeze %dma_wait3A_411 : memref<1x128x128xf32, #tpu.memory_space<vmem>> -> memref<128x128xf32, #tpu.memory_space<vmem>>
      %dma_wait3A_413 = arith.constant 0 : i32
      %dma_wait3A_414 = arith.constant 0 : i32
      %dma_wait3A_415 = tpu.memref_slice %arg2[%dma_wait3A_413, %dma_wait3A_414] : memref<10000x128xf32, #tpu.memory_space<hbm>> -> memref<128x128xf32, #tpu.memory_space<hbm>>
      tpu.wait_dma2 semaphore(%dma_wait3A_408 : memref<!tpu.dma_semaphore, #tpu.memory_space<semaphore_mem>>) src(%dma_wait3A_415 : memref<128x128xf32, #tpu.memory_space<hbm>>) dst(%dma_wait3A_412 : memref<128x128xf32, #tpu.memory_space<vmem>>)
      %dma_wait3A_416 = arith.constant 1 : i32
      %dma_wait3A_417 = arith.constant 1 : i32
      %dma_wait3A_418 = arith.constant 0 : i32
      %dma_wait3A_419 = arith.constant 0 : i32
      %dma_wait3A_420 = tpu.memref_slice %arg11[%dma_wait3A_416, %dma_wait3A_418, %dma_wait3A_419] : memref<2x128x128xf32, #tpu.memory_space<vmem>> -> memref<1x128x128xf32, #tpu.memory_space<vmem>>
      %dma_wait3A_421 = tpu.memref_squeeze %dma_wait3A_420 : memref<1x128x128xf32, #tpu.memory_space<vmem>> -> memref<128x128xf32, #tpu.memory_space<vmem>>
      %dma_wait3A_422 = arith.constant 0 : i32
      %dma_wait3A_423 = arith.constant 0 : i32
      %dma_wait3A_424 = tpu.memref_slice %arg3[%dma_wait3A_422, %dma_wait3A_423] : memref<10000x128xf32, #tpu.memory_space<hbm>> -> memref<128x128xf32, #tpu.memory_space<hbm>>
      %dma_wait3A_425 = tpu.memref_slice %arg14[%dma_wait3A_417] : memref<2x!tpu.dma_semaphore, #tpu.memory_space<semaphore_mem>> -> memref<1x!tpu.dma_semaphore, #tpu.memory_space<semaphore_mem>>
      %dma_wait3A_426 = tpu.memref_squeeze %dma_wait3A_425 : memref<1x!tpu.dma_semaphore, #tpu.memory_space<semaphore_mem>> -> memref<!tpu.dma_semaphore, #tpu.memory_space<semaphore_mem>>
      %dma_wait3A_427 = arith.constant 0 : i32
      %dma_wait3A_428 = arith.constant 0 : i32
      %dma_wait3A_429 = tpu.memref_slice %arg11[%dma_wait3A_416, %dma_wait3A_427, %dma_wait3A_428] : memref<2x128x128xf32, #tpu.memory_space<vmem>> -> memref<1x128x128xf32, #tpu.memory_space<vmem>>
      %dma_wait3A_430 = tpu.memref_squeeze %dma_wait3A_429 : memref<1x128x128xf32, #tpu.memory_space<vmem>> -> memref<128x128xf32, #tpu.memory_space<vmem>>
      %dma_wait3A_431 = arith.constant 0 : i32
      %dma_wait3A_432 = arith.constant 0 : i32
      %dma_wait3A_433 = tpu.memref_slice %arg3[%dma_wait3A_431, %dma_wait3A_432] : memref<10000x128xf32, #tpu.memory_space<hbm>> -> memref<128x128xf32, #tpu.memory_space<hbm>>
      tpu.wait_dma2 semaphore(%dma_wait3A_426 : memref<!tpu.dma_semaphore, #tpu.memory_space<semaphore_mem>>) src(%dma_wait3A_433 : memref<128x128xf32, #tpu.memory_space<hbm>>) dst(%dma_wait3A_430 : memref<128x128xf32, #tpu.memory_space<vmem>>)
      %add3A_434 = arith.constant 1 : i32
      %add3A_435 = arith.addi %mul3A_322, %add3A_434 : i32
      %add3A_436 = arith.addi %select_n3A_8, %add3A_435 : i32
      %mul3A_437 = arith.constant 128 : i32
      %mul3A_438 = arith.muli %add3A_436, %mul3A_437 : i32
      %dma_start3A_439 = arith.constant 1 : i32
      %dma_start3A_440 = arith.constant 1 : i32
      %dma_start3A_441 = arith.constant 0 : i32
      %dma_start3A_442 = arith.constant 0 : i32
      %dma_start3A_443 = tpu.memref_slice %arg10[%dma_start3A_439, %dma_start3A_441, %dma_start3A_442] : memref<2x128x128xf32, #tpu.memory_space<vmem>> -> memref<1x128x128xf32, #tpu.memory_space<vmem>>
      %dma_start3A_444 = tpu.memref_squeeze %dma_start3A_443 : memref<1x128x128xf32, #tpu.memory_space<vmem>> -> memref<128x128xf32, #tpu.memory_space<vmem>>
      %dma_start3A_445 = arith.constant 0 : i32
      %dma_start3A_446 = tpu.memref_slice %arg6[%mul3A_438, %dma_start3A_445] : memref<163840x128xf32, #tpu.memory_space<hbm>> -> memref<128x128xf32, #tpu.memory_space<hbm>>
      %dma_start3A_447 = tpu.memref_slice %arg13[%dma_start3A_440] : memref<2x!tpu.dma_semaphore, #tpu.memory_space<semaphore_mem>> -> memref<1x!tpu.dma_semaphore, #tpu.memory_space<semaphore_mem>>
      %dma_start3A_448 = tpu.memref_squeeze %dma_start3A_447 : memref<1x!tpu.dma_semaphore, #tpu.memory_space<semaphore_mem>> -> memref<!tpu.dma_semaphore, #tpu.memory_space<semaphore_mem>>
      %dma_start3A_449 = arith.constant 0 : i32
      %dma_start3A_450 = tpu.memref_slice %arg6[%mul3A_438, %dma_start3A_449] : memref<163840x128xf32, #tpu.memory_space<hbm>> -> memref<128x128xf32, #tpu.memory_space<hbm>>
      %dma_start3A_451 = arith.constant 0 : i32
      %dma_start3A_452 = arith.constant 0 : i32
      %dma_start3A_453 = tpu.memref_slice %arg10[%dma_start3A_439, %dma_start3A_451, %dma_start3A_452] : memref<2x128x128xf32, #tpu.memory_space<vmem>> -> memref<1x128x128xf32, #tpu.memory_space<vmem>>
      %dma_start3A_454 = tpu.memref_squeeze %dma_start3A_453 : memref<1x128x128xf32, #tpu.memory_space<vmem>> -> memref<128x128xf32, #tpu.memory_space<vmem>>
      tpu.enqueue_dma source(%dma_start3A_454 : memref<128x128xf32, #tpu.memory_space<vmem>>) target(%dma_start3A_450 : memref<128x128xf32, #tpu.memory_space<hbm>>) target_semaphore(%dma_start3A_448 : memref<!tpu.dma_semaphore, #tpu.memory_space<semaphore_mem>>)
      %mul3A_455 = arith.constant 128 : i32
      %mul3A_456 = arith.muli %add3A_436, %mul3A_455 : i32
      %dma_start3A_457 = arith.constant 1 : i32
      %dma_start3A_458 = arith.constant 1 : i32
      %dma_start3A_459 = arith.constant 0 : i32
      %dma_start3A_460 = arith.constant 0 : i32
      %dma_start3A_461 = tpu.memref_slice %arg11[%dma_start3A_457, %dma_start3A_459, %dma_start3A_460] : memref<2x128x128xf32, #tpu.memory_space<vmem>> -> memref<1x128x128xf32, #tpu.memory_space<vmem>>
      %dma_start3A_462 = tpu.memref_squeeze %dma_start3A_461 : memref<1x128x128xf32, #tpu.memory_space<vmem>> -> memref<128x128xf32, #tpu.memory_space<vmem>>
      %dma_start3A_463 = arith.constant 0 : i32
      %dma_start3A_464 = tpu.memref_slice %arg7[%mul3A_456, %dma_start3A_463] : memref<163840x128xf32, #tpu.memory_space<hbm>> -> memref<128x128xf32, #tpu.memory_space<hbm>>
      %dma_start3A_465 = tpu.memref_slice %arg15[%dma_start3A_458] : memref<2x!tpu.dma_semaphore, #tpu.memory_space<semaphore_mem>> -> memref<1x!tpu.dma_semaphore, #tpu.memory_space<semaphore_mem>>
      %dma_start3A_466 = tpu.memref_squeeze %dma_start3A_465 : memref<1x!tpu.dma_semaphore, #tpu.memory_space<semaphore_mem>> -> memref<!tpu.dma_semaphore, #tpu.memory_space<semaphore_mem>>
      %dma_start3A_467 = arith.constant 0 : i32
      %dma_start3A_468 = tpu.memref_slice %arg7[%mul3A_456, %dma_start3A_467] : memref<163840x128xf32, #tpu.memory_space<hbm>> -> memref<128x128xf32, #tpu.memory_space<hbm>>
      %dma_start3A_469 = arith.constant 0 : i32
      %dma_start3A_470 = arith.constant 0 : i32
      %dma_start3A_471 = tpu.memref_slice %arg11[%dma_start3A_457, %dma_start3A_469, %dma_start3A_470] : memref<2x128x128xf32, #tpu.memory_space<vmem>> -> memref<1x128x128xf32, #tpu.memory_space<vmem>>
      %dma_start3A_472 = tpu.memref_squeeze %dma_start3A_471 : memref<1x128x128xf32, #tpu.memory_space<vmem>> -> memref<128x128xf32, #tpu.memory_space<vmem>>
      tpu.enqueue_dma source(%dma_start3A_472 : memref<128x128xf32, #tpu.memory_space<vmem>>) target(%dma_start3A_468 : memref<128x128xf32, #tpu.memory_space<hbm>>) target_semaphore(%dma_start3A_466 : memref<!tpu.dma_semaphore, #tpu.memory_space<semaphore_mem>>)
      %dma_wait3A_473 = arith.constant 0 : i32
      %dma_wait3A_474 = arith.constant 0 : i32
      %dma_wait3A_475 = arith.constant 0 : i32
      %dma_wait3A_476 = arith.constant 0 : i32
      %dma_wait3A_477 = tpu.memref_slice %arg10[%dma_wait3A_473, %dma_wait3A_475, %dma_wait3A_476] : memref<2x128x128xf32, #tpu.memory_space<vmem>> -> memref<1x128x128xf32, #tpu.memory_space<vmem>>
      %dma_wait3A_478 = tpu.memref_squeeze %dma_wait3A_477 : memref<1x128x128xf32, #tpu.memory_space<vmem>> -> memref<128x128xf32, #tpu.memory_space<vmem>>
      %dma_wait3A_479 = arith.constant 0 : i32
      %dma_wait3A_480 = arith.constant 0 : i32
      %dma_wait3A_481 = tpu.memref_slice %arg6[%dma_wait3A_479, %dma_wait3A_480] : memref<163840x128xf32, #tpu.memory_space<hbm>> -> memref<128x128xf32, #tpu.memory_space<hbm>>
      %dma_wait3A_482 = tpu.memref_slice %arg13[%dma_wait3A_474] : memref<2x!tpu.dma_semaphore, #tpu.memory_space<semaphore_mem>> -> memref<1x!tpu.dma_semaphore, #tpu.memory_space<semaphore_mem>>
      %dma_wait3A_483 = tpu.memref_squeeze %dma_wait3A_482 : memref<1x!tpu.dma_semaphore, #tpu.memory_space<semaphore_mem>> -> memref<!tpu.dma_semaphore, #tpu.memory_space<semaphore_mem>>
      %dma_wait3A_484 = arith.constant 0 : i32
      %dma_wait3A_485 = arith.constant 0 : i32
      %dma_wait3A_486 = tpu.memref_slice %arg6[%dma_wait3A_484, %dma_wait3A_485] : memref<163840x128xf32, #tpu.memory_space<hbm>> -> memref<128x128xf32, #tpu.memory_space<hbm>>
      %dma_wait3A_487 = arith.constant 0 : i32
      %dma_wait3A_488 = arith.constant 0 : i32
      %dma_wait3A_489 = tpu.memref_slice %arg10[%dma_wait3A_473, %dma_wait3A_487, %dma_wait3A_488] : memref<2x128x128xf32, #tpu.memory_space<vmem>> -> memref<1x128x128xf32, #tpu.memory_space<vmem>>
      %dma_wait3A_490 = tpu.memref_squeeze %dma_wait3A_489 : memref<1x128x128xf32, #tpu.memory_space<vmem>> -> memref<128x128xf32, #tpu.memory_space<vmem>>
      tpu.wait_dma2 semaphore(%dma_wait3A_483 : memref<!tpu.dma_semaphore, #tpu.memory_space<semaphore_mem>>) src(%dma_wait3A_490 : memref<128x128xf32, #tpu.memory_space<vmem>>) dst(%dma_wait3A_486 : memref<128x128xf32, #tpu.memory_space<hbm>>)
      %dma_wait3A_491 = arith.constant 0 : i32
      %dma_wait3A_492 = arith.constant 0 : i32
      %dma_wait3A_493 = arith.constant 0 : i32
      %dma_wait3A_494 = arith.constant 0 : i32
      %dma_wait3A_495 = tpu.memref_slice %arg11[%dma_wait3A_491, %dma_wait3A_493, %dma_wait3A_494] : memref<2x128x128xf32, #tpu.memory_space<vmem>> -> memref<1x128x128xf32, #tpu.memory_space<vmem>>
      %dma_wait3A_496 = tpu.memref_squeeze %dma_wait3A_495 : memref<1x128x128xf32, #tpu.memory_space<vmem>> -> memref<128x128xf32, #tpu.memory_space<vmem>>
      %dma_wait3A_497 = arith.constant 0 : i32
      %dma_wait3A_498 = arith.constant 0 : i32
      %dma_wait3A_499 = tpu.memref_slice %arg7[%dma_wait3A_497, %dma_wait3A_498] : memref<163840x128xf32, #tpu.memory_space<hbm>> -> memref<128x128xf32, #tpu.memory_space<hbm>>
      %dma_wait3A_500 = tpu.memref_slice %arg15[%dma_wait3A_492] : memref<2x!tpu.dma_semaphore, #tpu.memory_space<semaphore_mem>> -> memref<1x!tpu.dma_semaphore, #tpu.memory_space<semaphore_mem>>
      %dma_wait3A_501 = tpu.memref_squeeze %dma_wait3A_500 : memref<1x!tpu.dma_semaphore, #tpu.memory_space<semaphore_mem>> -> memref<!tpu.dma_semaphore, #tpu.memory_space<semaphore_mem>>
      %dma_wait3A_502 = arith.constant 0 : i32
      %dma_wait3A_503 = arith.constant 0 : i32
      %dma_wait3A_504 = tpu.memref_slice %arg7[%dma_wait3A_502, %dma_wait3A_503] : memref<163840x128xf32, #tpu.memory_space<hbm>> -> memref<128x128xf32, #tpu.memory_space<hbm>>
      %dma_wait3A_505 = arith.constant 0 : i32
      %dma_wait3A_506 = arith.constant 0 : i32
      %dma_wait3A_507 = tpu.memref_slice %arg11[%dma_wait3A_491, %dma_wait3A_505, %dma_wait3A_506] : memref<2x128x128xf32, #tpu.memory_space<vmem>> -> memref<1x128x128xf32, #tpu.memory_space<vmem>>
      %dma_wait3A_508 = tpu.memref_squeeze %dma_wait3A_507 : memref<1x128x128xf32, #tpu.memory_space<vmem>> -> memref<128x128xf32, #tpu.memory_space<vmem>>
      tpu.wait_dma2 semaphore(%dma_wait3A_501 : memref<!tpu.dma_semaphore, #tpu.memory_space<semaphore_mem>>) src(%dma_wait3A_508 : memref<128x128xf32, #tpu.memory_space<vmem>>) dst(%dma_wait3A_504 : memref<128x128xf32, #tpu.memory_space<hbm>>)
      %add3A_509 = arith.constant 0 : i32
      %add3A_510 = arith.addi %mul3A_322, %add3A_509 : i32
      %add3A_511 = arith.constant 2 : i32
      %add3A_512 = arith.addi %add3A_510, %add3A_511 : i32
      %dma_start3A_513 = arith.constant 0 : i32
      %dma_start3A_514 = arith.constant 0 : i32
      %dma_start3A_515 = arith.constant 0 : i32
      %dma_start3A_516 = arith.constant 0 : i32
      %dma_start3A_517 = tpu.memref_slice %arg10[%dma_start3A_513, %dma_start3A_515, %dma_start3A_516] : memref<2x128x128xf32, #tpu.memory_space<vmem>> -> memref<1x128x128xf32, #tpu.memory_space<vmem>>
      %dma_start3A_518 = tpu.memref_squeeze %dma_start3A_517 : memref<1x128x128xf32, #tpu.memory_space<vmem>> -> memref<128x128xf32, #tpu.memory_space<vmem>>
      %dma_start3A_519 = arith.constant 0 : i32
      %dma_start3A_520 = tpu.memref_slice %arg8[%add3A_512, %dma_start3A_519] : memref<40x128xi32, #tpu.memory_space<vmem>> -> memref<1x128xi32, #tpu.memory_space<vmem>>
      %dma_start3A_521 = tpu.memref_squeeze %dma_start3A_520 : memref<1x128xi32, #tpu.memory_space<vmem>> -> memref<128xi32, #tpu.memory_space<vmem>>
      %dma_start3A_522 = arith.constant 0 : i32
      %dma_start3A_523 = arith.constant 0 : i32
      %dma_start3A_524 = tpu.memref_slice %arg2[%dma_start3A_522, %dma_start3A_523] : memref<10000x128xf32, #tpu.memory_space<hbm>> -> memref<10000x128xf32, #tpu.memory_space<hbm>>
      %dma_start3A_525 = tpu.memref_slice %arg12[%dma_start3A_514] : memref<2x!tpu.dma_semaphore, #tpu.memory_space<semaphore_mem>> -> memref<1x!tpu.dma_semaphore, #tpu.memory_space<semaphore_mem>>
      %dma_start3A_526 = tpu.memref_squeeze %dma_start3A_525 : memref<1x!tpu.dma_semaphore, #tpu.memory_space<semaphore_mem>> -> memref<!tpu.dma_semaphore, #tpu.memory_space<semaphore_mem>>
      tpu.enqueue_indirect_dma source(%dma_start3A_524 : memref<10000x128xf32, #tpu.memory_space<hbm>>) target(%dma_start3A_518 : memref<128x128xf32, #tpu.memory_space<vmem>>) offsets(%dma_start3A_521 : memref<128xi32, #tpu.memory_space<vmem>>) semaphore(%dma_start3A_526 : memref<!tpu.dma_semaphore, #tpu.memory_space<semaphore_mem>>)
      %dma_start3A_527 = arith.constant 0 : i32
      %dma_start3A_528 = arith.constant 0 : i32
      %dma_start3A_529 = arith.constant 0 : i32
      %dma_start3A_530 = arith.constant 0 : i32
      %dma_start3A_531 = tpu.memref_slice %arg11[%dma_start3A_527, %dma_start3A_529, %dma_start3A_530] : memref<2x128x128xf32, #tpu.memory_space<vmem>> -> memref<1x128x128xf32, #tpu.memory_space<vmem>>
      %dma_start3A_532 = tpu.memref_squeeze %dma_start3A_531 : memref<1x128x128xf32, #tpu.memory_space<vmem>> -> memref<128x128xf32, #tpu.memory_space<vmem>>
      %dma_start3A_533 = arith.constant 0 : i32
      %dma_start3A_534 = tpu.memref_slice %arg9[%add3A_512, %dma_start3A_533] : memref<40x128xi32, #tpu.memory_space<vmem>> -> memref<1x128xi32, #tpu.memory_space<vmem>>
      %dma_start3A_535 = tpu.memref_squeeze %dma_start3A_534 : memref<1x128xi32, #tpu.memory_space<vmem>> -> memref<128xi32, #tpu.memory_space<vmem>>
      %dma_start3A_536 = arith.constant 0 : i32
      %dma_start3A_537 = arith.constant 0 : i32
      %dma_start3A_538 = tpu.memref_slice %arg3[%dma_start3A_536, %dma_start3A_537] : memref<10000x128xf32, #tpu.memory_space<hbm>> -> memref<10000x128xf32, #tpu.memory_space<hbm>>
      %dma_start3A_539 = tpu.memref_slice %arg14[%dma_start3A_528] : memref<2x!tpu.dma_semaphore, #tpu.memory_space<semaphore_mem>> -> memref<1x!tpu.dma_semaphore, #tpu.memory_space<semaphore_mem>>
      %dma_start3A_540 = tpu.memref_squeeze %dma_start3A_539 : memref<1x!tpu.dma_semaphore, #tpu.memory_space<semaphore_mem>> -> memref<!tpu.dma_semaphore, #tpu.memory_space<semaphore_mem>>
      tpu.enqueue_indirect_dma source(%dma_start3A_538 : memref<10000x128xf32, #tpu.memory_space<hbm>>) target(%dma_start3A_532 : memref<128x128xf32, #tpu.memory_space<vmem>>) offsets(%dma_start3A_535 : memref<128xi32, #tpu.memory_space<vmem>>) semaphore(%dma_start3A_540 : memref<!tpu.dma_semaphore, #tpu.memory_space<semaphore_mem>>)
      %dma_wait3A_541 = arith.constant 1 : i32
      %dma_wait3A_542 = arith.constant 1 : i32
      %dma_wait3A_543 = arith.constant 0 : i32
      %dma_wait3A_544 = arith.constant 0 : i32
      %dma_wait3A_545 = tpu.memref_slice %arg10[%dma_wait3A_541, %dma_wait3A_543, %dma_wait3A_544] : memref<2x128x128xf32, #tpu.memory_space<vmem>> -> memref<1x128x128xf32, #tpu.memory_space<vmem>>
      %dma_wait3A_546 = tpu.memref_squeeze %dma_wait3A_545 : memref<1x128x128xf32, #tpu.memory_space<vmem>> -> memref<128x128xf32, #tpu.memory_space<vmem>>
      %dma_wait3A_547 = arith.constant 0 : i32
      %dma_wait3A_548 = arith.constant 0 : i32
      %dma_wait3A_549 = tpu.memref_slice %arg6[%dma_wait3A_547, %dma_wait3A_548] : memref<163840x128xf32, #tpu.memory_space<hbm>> -> memref<128x128xf32, #tpu.memory_space<hbm>>
      %dma_wait3A_550 = tpu.memref_slice %arg13[%dma_wait3A_542] : memref<2x!tpu.dma_semaphore, #tpu.memory_space<semaphore_mem>> -> memref<1x!tpu.dma_semaphore, #tpu.memory_space<semaphore_mem>>
      %dma_wait3A_551 = tpu.memref_squeeze %dma_wait3A_550 : memref<1x!tpu.dma_semaphore, #tpu.memory_space<semaphore_mem>> -> memref<!tpu.dma_semaphore, #tpu.memory_space<semaphore_mem>>
      %dma_wait3A_552 = arith.constant 0 : i32
      %dma_wait3A_553 = arith.constant 0 : i32
      %dma_wait3A_554 = tpu.memref_slice %arg6[%dma_wait3A_552, %dma_wait3A_553] : memref<163840x128xf32, #tpu.memory_space<hbm>> -> memref<128x128xf32, #tpu.memory_space<hbm>>
      %dma_wait3A_555 = arith.constant 0 : i32
      %dma_wait3A_556 = arith.constant 0 : i32
      %dma_wait3A_557 = tpu.memref_slice %arg10[%dma_wait3A_541, %dma_wait3A_555, %dma_wait3A_556] : memref<2x128x128xf32, #tpu.memory_space<vmem>> -> memref<1x128x128xf32, #tpu.memory_space<vmem>>
      %dma_wait3A_558 = tpu.memref_squeeze %dma_wait3A_557 : memref<1x128x128xf32, #tpu.memory_space<vmem>> -> memref<128x128xf32, #tpu.memory_space<vmem>>
      tpu.wait_dma2 semaphore(%dma_wait3A_551 : memref<!tpu.dma_semaphore, #tpu.memory_space<semaphore_mem>>) src(%dma_wait3A_558 : memref<128x128xf32, #tpu.memory_space<vmem>>) dst(%dma_wait3A_554 : memref<128x128xf32, #tpu.memory_space<hbm>>)
      %dma_wait3A_559 = arith.constant 1 : i32
      %dma_wait3A_560 = arith.constant 1 : i32
      %dma_wait3A_561 = arith.constant 0 : i32
      %dma_wait3A_562 = arith.constant 0 : i32
      %dma_wait3A_563 = tpu.memref_slice %arg11[%dma_wait3A_559, %dma_wait3A_561, %dma_wait3A_562] : memref<2x128x128xf32, #tpu.memory_space<vmem>> -> memref<1x128x128xf32, #tpu.memory_space<vmem>>
      %dma_wait3A_564 = tpu.memref_squeeze %dma_wait3A_563 : memref<1x128x128xf32, #tpu.memory_space<vmem>> -> memref<128x128xf32, #tpu.memory_space<vmem>>
      %dma_wait3A_565 = arith.constant 0 : i32
      %dma_wait3A_566 = arith.constant 0 : i32
      %dma_wait3A_567 = tpu.memref_slice %arg7[%dma_wait3A_565, %dma_wait3A_566] : memref<163840x128xf32, #tpu.memory_space<hbm>> -> memref<128x128xf32, #tpu.memory_space<hbm>>
      %dma_wait3A_568 = tpu.memref_slice %arg15[%dma_wait3A_560] : memref<2x!tpu.dma_semaphore, #tpu.memory_space<semaphore_mem>> -> memref<1x!tpu.dma_semaphore, #tpu.memory_space<semaphore_mem>>
      %dma_wait3A_569 = tpu.memref_squeeze %dma_wait3A_568 : memref<1x!tpu.dma_semaphore, #tpu.memory_space<semaphore_mem>> -> memref<!tpu.dma_semaphore, #tpu.memory_space<semaphore_mem>>
      %dma_wait3A_570 = arith.constant 0 : i32
      %dma_wait3A_571 = arith.constant 0 : i32
      %dma_wait3A_572 = tpu.memref_slice %arg7[%dma_wait3A_570, %dma_wait3A_571] : memref<163840x128xf32, #tpu.memory_space<hbm>> -> memref<128x128xf32, #tpu.memory_space<hbm>>
      %dma_wait3A_573 = arith.constant 0 : i32
      %dma_wait3A_574 = arith.constant 0 : i32
      %dma_wait3A_575 = tpu.memref_slice %arg11[%dma_wait3A_559, %dma_wait3A_573, %dma_wait3A_574] : memref<2x128x128xf32, #tpu.memory_space<vmem>> -> memref<1x128x128xf32, #tpu.memory_space<vmem>>
      %dma_wait3A_576 = tpu.memref_squeeze %dma_wait3A_575 : memref<1x128x128xf32, #tpu.memory_space<vmem>> -> memref<128x128xf32, #tpu.memory_space<vmem>>
      tpu.wait_dma2 semaphore(%dma_wait3A_569 : memref<!tpu.dma_semaphore, #tpu.memory_space<semaphore_mem>>) src(%dma_wait3A_576 : memref<128x128xf32, #tpu.memory_space<vmem>>) dst(%dma_wait3A_572 : memref<128x128xf32, #tpu.memory_space<hbm>>)
      %add3A_577 = arith.constant 1 : i32
      %add3A_578 = arith.addi %mul3A_322, %add3A_577 : i32
      %add3A_579 = arith.constant 2 : i32
      %add3A_580 = arith.addi %add3A_578, %add3A_579 : i32
      %dma_start3A_581 = arith.constant 1 : i32
      %dma_start3A_582 = arith.constant 1 : i32
      %dma_start3A_583 = arith.constant 0 : i32
      %dma_start3A_584 = arith.constant 0 : i32
      %dma_start3A_585 = tpu.memref_slice %arg10[%dma_start3A_581, %dma_start3A_583, %dma_start3A_584] : memref<2x128x128xf32, #tpu.memory_space<vmem>> -> memref<1x128x128xf32, #tpu.memory_space<vmem>>
      %dma_start3A_586 = tpu.memref_squeeze %dma_start3A_585 : memref<1x128x128xf32, #tpu.memory_space<vmem>> -> memref<128x128xf32, #tpu.memory_space<vmem>>
      %dma_start3A_587 = arith.constant 0 : i32
      %dma_start3A_588 = tpu.memref_slice %arg8[%add3A_580, %dma_start3A_587] : memref<40x128xi32, #tpu.memory_space<vmem>> -> memref<1x128xi32, #tpu.memory_space<vmem>>
      %dma_start3A_589 = tpu.memref_squeeze %dma_start3A_588 : memref<1x128xi32, #tpu.memory_space<vmem>> -> memref<128xi32, #tpu.memory_space<vmem>>
      %dma_start3A_590 = arith.constant 0 : i32
      %dma_start3A_591 = arith.constant 0 : i32
      %dma_start3A_592 = tpu.memref_slice %arg2[%dma_start3A_590, %dma_start3A_591] : memref<10000x128xf32, #tpu.memory_space<hbm>> -> memref<10000x128xf32, #tpu.memory_space<hbm>>
      %dma_start3A_593 = tpu.memref_slice %arg12[%dma_start3A_582] : memref<2x!tpu.dma_semaphore, #tpu.memory_space<semaphore_mem>> -> memref<1x!tpu.dma_semaphore, #tpu.memory_space<semaphore_mem>>
      %dma_start3A_594 = tpu.memref_squeeze %dma_start3A_593 : memref<1x!tpu.dma_semaphore, #tpu.memory_space<semaphore_mem>> -> memref<!tpu.dma_semaphore, #tpu.memory_space<semaphore_mem>>
      tpu.enqueue_indirect_dma source(%dma_start3A_592 : memref<10000x128xf32, #tpu.memory_space<hbm>>) target(%dma_start3A_586 : memref<128x128xf32, #tpu.memory_space<vmem>>) offsets(%dma_start3A_589 : memref<128xi32, #tpu.memory_space<vmem>>) semaphore(%dma_start3A_594 : memref<!tpu.dma_semaphore, #tpu.memory_space<semaphore_mem>>)
      %dma_start3A_595 = arith.constant 1 : i32
      %dma_start3A_596 = arith.constant 1 : i32
      %dma_start3A_597 = arith.constant 0 : i32
      %dma_start3A_598 = arith.constant 0 : i32
      %dma_start3A_599 = tpu.memref_slice %arg11[%dma_start3A_595, %dma_start3A_597, %dma_start3A_598] : memref<2x128x128xf32, #tpu.memory_space<vmem>> -> memref<1x128x128xf32, #tpu.memory_space<vmem>>
      %dma_start3A_600 = tpu.memref_squeeze %dma_start3A_599 : memref<1x128x128xf32, #tpu.memory_space<vmem>> -> memref<128x128xf32, #tpu.memory_space<vmem>>
      %dma_start3A_601 = arith.constant 0 : i32
      %dma_start3A_602 = tpu.memref_slice %arg9[%add3A_580, %dma_start3A_601] : memref<40x128xi32, #tpu.memory_space<vmem>> -> memref<1x128xi32, #tpu.memory_space<vmem>>
      %dma_start3A_603 = tpu.memref_squeeze %dma_start3A_602 : memref<1x128xi32, #tpu.memory_space<vmem>> -> memref<128xi32, #tpu.memory_space<vmem>>
      %dma_start3A_604 = arith.constant 0 : i32
      %dma_start3A_605 = arith.constant 0 : i32
      %dma_start3A_606 = tpu.memref_slice %arg3[%dma_start3A_604, %dma_start3A_605] : memref<10000x128xf32, #tpu.memory_space<hbm>> -> memref<10000x128xf32, #tpu.memory_space<hbm>>
      %dma_start3A_607 = tpu.memref_slice %arg14[%dma_start3A_596] : memref<2x!tpu.dma_semaphore, #tpu.memory_space<semaphore_mem>> -> memref<1x!tpu.dma_semaphore, #tpu.memory_space<semaphore_mem>>
      %dma_start3A_608 = tpu.memref_squeeze %dma_start3A_607 : memref<1x!tpu.dma_semaphore, #tpu.memory_space<semaphore_mem>> -> memref<!tpu.dma_semaphore, #tpu.memory_space<semaphore_mem>>
      tpu.enqueue_indirect_dma source(%dma_start3A_606 : memref<10000x128xf32, #tpu.memory_space<hbm>>) target(%dma_start3A_600 : memref<128x128xf32, #tpu.memory_space<vmem>>) offsets(%dma_start3A_603 : memref<128xi32, #tpu.memory_space<vmem>>) semaphore(%dma_start3A_608 : memref<!tpu.dma_semaphore, #tpu.memory_space<semaphore_mem>>)
    }
    %sub3A_97 = arith.constant 2 : i32
    %sub3A_98 = arith.subi %select_n3A, %sub3A_97 : i32
    %dma_wait3A = arith.constant 0 : i32
    %dma_wait3A_99 = arith.constant 0 : i32
    %dma_wait3A_100 = arith.constant 0 : i32
    %dma_wait3A_101 = arith.constant 0 : i32
    %dma_wait3A_102 = tpu.memref_slice %arg10[%dma_wait3A, %dma_wait3A_100, %dma_wait3A_101] : memref<2x128x128xf32, #tpu.memory_space<vmem>> -> memref<1x128x128xf32, #tpu.memory_space<vmem>>
    %dma_wait3A_103 = tpu.memref_squeeze %dma_wait3A_102 : memref<1x128x128xf32, #tpu.memory_space<vmem>> -> memref<128x128xf32, #tpu.memory_space<vmem>>
    %dma_wait3A_104 = arith.constant 0 : i32
    %dma_wait3A_105 = arith.constant 0 : i32
    %dma_wait3A_106 = tpu.memref_slice %arg2[%dma_wait3A_104, %dma_wait3A_105] : memref<10000x128xf32, #tpu.memory_space<hbm>> -> memref<128x128xf32, #tpu.memory_space<hbm>>
    %dma_wait3A_107 = tpu.memref_slice %arg12[%dma_wait3A_99] : memref<2x!tpu.dma_semaphore, #tpu.memory_space<semaphore_mem>> -> memref<1x!tpu.dma_semaphore, #tpu.memory_space<semaphore_mem>>
    %dma_wait3A_108 = tpu.memref_squeeze %dma_wait3A_107 : memref<1x!tpu.dma_semaphore, #tpu.memory_space<semaphore_mem>> -> memref<!tpu.dma_semaphore, #tpu.memory_space<semaphore_mem>>
    %dma_wait3A_109 = arith.constant 0 : i32
    %dma_wait3A_110 = arith.constant 0 : i32
    %dma_wait3A_111 = tpu.memref_slice %arg10[%dma_wait3A, %dma_wait3A_109, %dma_wait3A_110] : memref<2x128x128xf32, #tpu.memory_space<vmem>> -> memref<1x128x128xf32, #tpu.memory_space<vmem>>
    %dma_wait3A_112 = tpu.memref_squeeze %dma_wait3A_111 : memref<1x128x128xf32, #tpu.memory_space<vmem>> -> memref<128x128xf32, #tpu.memory_space<vmem>>
    %dma_wait3A_113 = arith.constant 0 : i32
    %dma_wait3A_114 = arith.constant 0 : i32
    %dma_wait3A_115 = tpu.memref_slice %arg2[%dma_wait3A_113, %dma_wait3A_114] : memref<10000x128xf32, #tpu.memory_space<hbm>> -> memref<128x128xf32, #tpu.memory_space<hbm>>
    tpu.wait_dma2 semaphore(%dma_wait3A_108 : memref<!tpu.dma_semaphore, #tpu.memory_space<semaphore_mem>>) src(%dma_wait3A_115 : memref<128x128xf32, #tpu.memory_space<hbm>>) dst(%dma_wait3A_112 : memref<128x128xf32, #tpu.memory_space<vmem>>)
    %dma_wait3A_116 = arith.constant 0 : i32
    %dma_wait3A_117 = arith.constant 0 : i32
    %dma_wait3A_118 = arith.constant 0 : i32
    %dma_wait3A_119 = arith.constant 0 : i32
    %dma_wait3A_120 = tpu.memref_slice %arg11[%dma_wait3A_116, %dma_wait3A_118, %dma_wait3A_119] : memref<2x128x128xf32, #tpu.memory_space<vmem>> -> memref<1x128x128xf32, #tpu.memory_space<vmem>>
    %dma_wait3A_121 = tpu.memref_squeeze %dma_wait3A_120 : memref<1x128x128xf32, #tpu.memory_space<vmem>> -> memref<128x128xf32, #tpu.memory_space<vmem>>
    %dma_wait3A_122 = arith.constant 0 : i32
    %dma_wait3A_123 = arith.constant 0 : i32
    %dma_wait3A_124 = tpu.memref_slice %arg3[%dma_wait3A_122, %dma_wait3A_123] : memref<10000x128xf32, #tpu.memory_space<hbm>> -> memref<128x128xf32, #tpu.memory_space<hbm>>
    %dma_wait3A_125 = tpu.memref_slice %arg14[%dma_wait3A_117] : memref<2x!tpu.dma_semaphore, #tpu.memory_space<semaphore_mem>> -> memref<1x!tpu.dma_semaphore, #tpu.memory_space<semaphore_mem>>
    %dma_wait3A_126 = tpu.memref_squeeze %dma_wait3A_125 : memref<1x!tpu.dma_semaphore, #tpu.memory_space<semaphore_mem>> -> memref<!tpu.dma_semaphore, #tpu.memory_space<semaphore_mem>>
    %dma_wait3A_127 = arith.constant 0 : i32
    %dma_wait3A_128 = arith.constant 0 : i32
    %dma_wait3A_129 = tpu.memref_slice %arg11[%dma_wait3A_116, %dma_wait3A_127, %dma_wait3A_128] : memref<2x128x128xf32, #tpu.memory_space<vmem>> -> memref<1x128x128xf32, #tpu.memory_space<vmem>>
    %dma_wait3A_130 = tpu.memref_squeeze %dma_wait3A_129 : memref<1x128x128xf32, #tpu.memory_space<vmem>> -> memref<128x128xf32, #tpu.memory_space<vmem>>
    %dma_wait3A_131 = arith.constant 0 : i32
    %dma_wait3A_132 = arith.constant 0 : i32
    %dma_wait3A_133 = tpu.memref_slice %arg3[%dma_wait3A_131, %dma_wait3A_132] : memref<10000x128xf32, #tpu.memory_space<hbm>> -> memref<128x128xf32, #tpu.memory_space<hbm>>
    tpu.wait_dma2 semaphore(%dma_wait3A_126 : memref<!tpu.dma_semaphore, #tpu.memory_space<semaphore_mem>>) src(%dma_wait3A_133 : memref<128x128xf32, #tpu.memory_space<hbm>>) dst(%dma_wait3A_130 : memref<128x128xf32, #tpu.memory_space<vmem>>)
    %add3A_134 = arith.constant 0 : i32
    %add3A_135 = arith.addi %sub3A_98, %add3A_134 : i32
    %add3A_136 = arith.addi %select_n3A_8, %add3A_135 : i32
    %mul3A_137 = arith.constant 128 : i32
    %mul3A_138 = arith.muli %add3A_136, %mul3A_137 : i32
    %dma_start3A_139 = arith.constant 0 : i32
    %dma_start3A_140 = arith.constant 0 : i32
    %dma_start3A_141 = arith.constant 0 : i32
    %dma_start3A_142 = arith.constant 0 : i32
    %dma_start3A_143 = tpu.memref_slice %arg10[%dma_start3A_139, %dma_start3A_141, %dma_start3A_142] : memref<2x128x128xf32, #tpu.memory_space<vmem>> -> memref<1x128x128xf32, #tpu.memory_space<vmem>>
    %dma_start3A_144 = tpu.memref_squeeze %dma_start3A_143 : memref<1x128x128xf32, #tpu.memory_space<vmem>> -> memref<128x128xf32, #tpu.memory_space<vmem>>
    %dma_start3A_145 = arith.constant 0 : i32
    %dma_start3A_146 = tpu.memref_slice %arg6[%mul3A_138, %dma_start3A_145] : memref<163840x128xf32, #tpu.memory_space<hbm>> -> memref<128x128xf32, #tpu.memory_space<hbm>>
    %dma_start3A_147 = tpu.memref_slice %arg13[%dma_start3A_140] : memref<2x!tpu.dma_semaphore, #tpu.memory_space<semaphore_mem>> -> memref<1x!tpu.dma_semaphore, #tpu.memory_space<semaphore_mem>>
    %dma_start3A_148 = tpu.memref_squeeze %dma_start3A_147 : memref<1x!tpu.dma_semaphore, #tpu.memory_space<semaphore_mem>> -> memref<!tpu.dma_semaphore, #tpu.memory_space<semaphore_mem>>
    %dma_start3A_149 = arith.constant 0 : i32
    %dma_start3A_150 = tpu.memref_slice %arg6[%mul3A_138, %dma_start3A_149] : memref<163840x128xf32, #tpu.memory_space<hbm>> -> memref<128x128xf32, #tpu.memory_space<hbm>>
    %dma_start3A_151 = arith.constant 0 : i32
    %dma_start3A_152 = arith.constant 0 : i32
    %dma_start3A_153 = tpu.memref_slice %arg10[%dma_start3A_139, %dma_start3A_151, %dma_start3A_152] : memref<2x128x128xf32, #tpu.memory_space<vmem>> -> memref<1x128x128xf32, #tpu.memory_space<vmem>>
    %dma_start3A_154 = tpu.memref_squeeze %dma_start3A_153 : memref<1x128x128xf32, #tpu.memory_space<vmem>> -> memref<128x128xf32, #tpu.memory_space<vmem>>
    tpu.enqueue_dma source(%dma_start3A_154 : memref<128x128xf32, #tpu.memory_space<vmem>>) target(%dma_start3A_150 : memref<128x128xf32, #tpu.memory_space<hbm>>) target_semaphore(%dma_start3A_148 : memref<!tpu.dma_semaphore, #tpu.memory_space<semaphore_mem>>)
    %mul3A_155 = arith.constant 128 : i32
    %mul3A_156 = arith.muli %add3A_136, %mul3A_155 : i32
    %dma_start3A_157 = arith.constant 0 : i32
    %dma_start3A_158 = arith.constant 0 : i32
    %dma_start3A_159 = arith.constant 0 : i32
    %dma_start3A_160 = arith.constant 0 : i32
    %dma_start3A_161 = tpu.memref_slice %arg11[%dma_start3A_157, %dma_start3A_159, %dma_start3A_160] : memref<2x128x128xf32, #tpu.memory_space<vmem>> -> memref<1x128x128xf32, #tpu.memory_space<vmem>>
    %dma_start3A_162 = tpu.memref_squeeze %dma_start3A_161 : memref<1x128x128xf32, #tpu.memory_space<vmem>> -> memref<128x128xf32, #tpu.memory_space<vmem>>
    %dma_start3A_163 = arith.constant 0 : i32
    %dma_start3A_164 = tpu.memref_slice %arg7[%mul3A_156, %dma_start3A_163] : memref<163840x128xf32, #tpu.memory_space<hbm>> -> memref<128x128xf32, #tpu.memory_space<hbm>>
    %dma_start3A_165 = tpu.memref_slice %arg15[%dma_start3A_158] : memref<2x!tpu.dma_semaphore, #tpu.memory_space<semaphore_mem>> -> memref<1x!tpu.dma_semaphore, #tpu.memory_space<semaphore_mem>>
    %dma_start3A_166 = tpu.memref_squeeze %dma_start3A_165 : memref<1x!tpu.dma_semaphore, #tpu.memory_space<semaphore_mem>> -> memref<!tpu.dma_semaphore, #tpu.memory_space<semaphore_mem>>
    %dma_start3A_167 = arith.constant 0 : i32
    %dma_start3A_168 = tpu.memref_slice %arg7[%mul3A_156, %dma_start3A_167] : memref<163840x128xf32, #tpu.memory_space<hbm>> -> memref<128x128xf32, #tpu.memory_space<hbm>>
    %dma_start3A_169 = arith.constant 0 : i32
    %dma_start3A_170 = arith.constant 0 : i32
    %dma_start3A_171 = tpu.memref_slice %arg11[%dma_start3A_157, %dma_start3A_169, %dma_start3A_170] : memref<2x128x128xf32, #tpu.memory_space<vmem>> -> memref<1x128x128xf32, #tpu.memory_space<vmem>>
    %dma_start3A_172 = tpu.memref_squeeze %dma_start3A_171 : memref<1x128x128xf32, #tpu.memory_space<vmem>> -> memref<128x128xf32, #tpu.memory_space<vmem>>
    tpu.enqueue_dma source(%dma_start3A_172 : memref<128x128xf32, #tpu.memory_space<vmem>>) target(%dma_start3A_168 : memref<128x128xf32, #tpu.memory_space<hbm>>) target_semaphore(%dma_start3A_166 : memref<!tpu.dma_semaphore, #tpu.memory_space<semaphore_mem>>)
    %dma_wait3A_173 = arith.constant 1 : i32
    %dma_wait3A_174 = arith.constant 1 : i32
    %dma_wait3A_175 = arith.constant 0 : i32
    %dma_wait3A_176 = arith.constant 0 : i32
    %dma_wait3A_177 = tpu.memref_slice %arg10[%dma_wait3A_173, %dma_wait3A_175, %dma_wait3A_176] : memref<2x128x128xf32, #tpu.memory_space<vmem>> -> memref<1x128x128xf32, #tpu.memory_space<vmem>>
    %dma_wait3A_178 = tpu.memref_squeeze %dma_wait3A_177 : memref<1x128x128xf32, #tpu.memory_space<vmem>> -> memref<128x128xf32, #tpu.memory_space<vmem>>
    %dma_wait3A_179 = arith.constant 0 : i32
    %dma_wait3A_180 = arith.constant 0 : i32
    %dma_wait3A_181 = tpu.memref_slice %arg2[%dma_wait3A_179, %dma_wait3A_180] : memref<10000x128xf32, #tpu.memory_space<hbm>> -> memref<128x128xf32, #tpu.memory_space<hbm>>
    %dma_wait3A_182 = tpu.memref_slice %arg12[%dma_wait3A_174] : memref<2x!tpu.dma_semaphore, #tpu.memory_space<semaphore_mem>> -> memref<1x!tpu.dma_semaphore, #tpu.memory_space<semaphore_mem>>
    %dma_wait3A_183 = tpu.memref_squeeze %dma_wait3A_182 : memref<1x!tpu.dma_semaphore, #tpu.memory_space<semaphore_mem>> -> memref<!tpu.dma_semaphore, #tpu.memory_space<semaphore_mem>>
    %dma_wait3A_184 = arith.constant 0 : i32
    %dma_wait3A_185 = arith.constant 0 : i32
    %dma_wait3A_186 = tpu.memref_slice %arg10[%dma_wait3A_173, %dma_wait3A_184, %dma_wait3A_185] : memref<2x128x128xf32, #tpu.memory_space<vmem>> -> memref<1x128x128xf32, #tpu.memory_space<vmem>>
    %dma_wait3A_187 = tpu.memref_squeeze %dma_wait3A_186 : memref<1x128x128xf32, #tpu.memory_space<vmem>> -> memref<128x128xf32, #tpu.memory_space<vmem>>
    %dma_wait3A_188 = arith.constant 0 : i32
    %dma_wait3A_189 = arith.constant 0 : i32
    %dma_wait3A_190 = tpu.memref_slice %arg2[%dma_wait3A_188, %dma_wait3A_189] : memref<10000x128xf32, #tpu.memory_space<hbm>> -> memref<128x128xf32, #tpu.memory_space<hbm>>
    tpu.wait_dma2 semaphore(%dma_wait3A_183 : memref<!tpu.dma_semaphore, #tpu.memory_space<semaphore_mem>>) src(%dma_wait3A_190 : memref<128x128xf32, #tpu.memory_space<hbm>>) dst(%dma_wait3A_187 : memref<128x128xf32, #tpu.memory_space<vmem>>)
    %dma_wait3A_191 = arith.constant 1 : i32
    %dma_wait3A_192 = arith.constant 1 : i32
    %dma_wait3A_193 = arith.constant 0 : i32
    %dma_wait3A_194 = arith.constant 0 : i32
    %dma_wait3A_195 = tpu.memref_slice %arg11[%dma_wait3A_191, %dma_wait3A_193, %dma_wait3A_194] : memref<2x128x128xf32, #tpu.memory_space<vmem>> -> memref<1x128x128xf32, #tpu.memory_space<vmem>>
    %dma_wait3A_196 = tpu.memref_squeeze %dma_wait3A_195 : memref<1x128x128xf32, #tpu.memory_space<vmem>> -> memref<128x128xf32, #tpu.memory_space<vmem>>
    %dma_wait3A_197 = arith.constant 0 : i32
    %dma_wait3A_198 = arith.constant 0 : i32
    %dma_wait3A_199 = tpu.memref_slice %arg3[%dma_wait3A_197, %dma_wait3A_198] : memref<10000x128xf32, #tpu.memory_space<hbm>> -> memref<128x128xf32, #tpu.memory_space<hbm>>
    %dma_wait3A_200 = tpu.memref_slice %arg14[%dma_wait3A_192] : memref<2x!tpu.dma_semaphore, #tpu.memory_space<semaphore_mem>> -> memref<1x!tpu.dma_semaphore, #tpu.memory_space<semaphore_mem>>
    %dma_wait3A_201 = tpu.memref_squeeze %dma_wait3A_200 : memref<1x!tpu.dma_semaphore, #tpu.memory_space<semaphore_mem>> -> memref<!tpu.dma_semaphore, #tpu.memory_space<semaphore_mem>>
    %dma_wait3A_202 = arith.constant 0 : i32
    %dma_wait3A_203 = arith.constant 0 : i32
    %dma_wait3A_204 = tpu.memref_slice %arg11[%dma_wait3A_191, %dma_wait3A_202, %dma_wait3A_203] : memref<2x128x128xf32, #tpu.memory_space<vmem>> -> memref<1x128x128xf32, #tpu.memory_space<vmem>>
    %dma_wait3A_205 = tpu.memref_squeeze %dma_wait3A_204 : memref<1x128x128xf32, #tpu.memory_space<vmem>> -> memref<128x128xf32, #tpu.memory_space<vmem>>
    %dma_wait3A_206 = arith.constant 0 : i32
    %dma_wait3A_207 = arith.constant 0 : i32
    %dma_wait3A_208 = tpu.memref_slice %arg3[%dma_wait3A_206, %dma_wait3A_207] : memref<10000x128xf32, #tpu.memory_space<hbm>> -> memref<128x128xf32, #tpu.memory_space<hbm>>
    tpu.wait_dma2 semaphore(%dma_wait3A_201 : memref<!tpu.dma_semaphore, #tpu.memory_space<semaphore_mem>>) src(%dma_wait3A_208 : memref<128x128xf32, #tpu.memory_space<hbm>>) dst(%dma_wait3A_205 : memref<128x128xf32, #tpu.memory_space<vmem>>)
    %add3A_209 = arith.constant 1 : i32
    %add3A_210 = arith.addi %sub3A_98, %add3A_209 : i32
    %add3A_211 = arith.addi %select_n3A_8, %add3A_210 : i32
    %mul3A_212 = arith.constant 128 : i32
    %mul3A_213 = arith.muli %add3A_211, %mul3A_212 : i32
    %dma_start3A_214 = arith.constant 1 : i32
    %dma_start3A_215 = arith.constant 1 : i32
    %dma_start3A_216 = arith.constant 0 : i32
    %dma_start3A_217 = arith.constant 0 : i32
    %dma_start3A_218 = tpu.memref_slice %arg10[%dma_start3A_214, %dma_start3A_216, %dma_start3A_217] : memref<2x128x128xf32, #tpu.memory_space<vmem>> -> memref<1x128x128xf32, #tpu.memory_space<vmem>>
    %dma_start3A_219 = tpu.memref_squeeze %dma_start3A_218 : memref<1x128x128xf32, #tpu.memory_space<vmem>> -> memref<128x128xf32, #tpu.memory_space<vmem>>
    %dma_start3A_220 = arith.constant 0 : i32
    %dma_start3A_221 = tpu.memref_slice %arg6[%mul3A_213, %dma_start3A_220] : memref<163840x128xf32, #tpu.memory_space<hbm>> -> memref<128x128xf32, #tpu.memory_space<hbm>>
    %dma_start3A_222 = tpu.memref_slice %arg13[%dma_start3A_215] : memref<2x!tpu.dma_semaphore, #tpu.memory_space<semaphore_mem>> -> memref<1x!tpu.dma_semaphore, #tpu.memory_space<semaphore_mem>>
    %dma_start3A_223 = tpu.memref_squeeze %dma_start3A_222 : memref<1x!tpu.dma_semaphore, #tpu.memory_space<semaphore_mem>> -> memref<!tpu.dma_semaphore, #tpu.memory_space<semaphore_mem>>
    %dma_start3A_224 = arith.constant 0 : i32
    %dma_start3A_225 = tpu.memref_slice %arg6[%mul3A_213, %dma_start3A_224] : memref<163840x128xf32, #tpu.memory_space<hbm>> -> memref<128x128xf32, #tpu.memory_space<hbm>>
    %dma_start3A_226 = arith.constant 0 : i32
    %dma_start3A_227 = arith.constant 0 : i32
    %dma_start3A_228 = tpu.memref_slice %arg10[%dma_start3A_214, %dma_start3A_226, %dma_start3A_227] : memref<2x128x128xf32, #tpu.memory_space<vmem>> -> memref<1x128x128xf32, #tpu.memory_space<vmem>>
    %dma_start3A_229 = tpu.memref_squeeze %dma_start3A_228 : memref<1x128x128xf32, #tpu.memory_space<vmem>> -> memref<128x128xf32, #tpu.memory_space<vmem>>
    tpu.enqueue_dma source(%dma_start3A_229 : memref<128x128xf32, #tpu.memory_space<vmem>>) target(%dma_start3A_225 : memref<128x128xf32, #tpu.memory_space<hbm>>) target_semaphore(%dma_start3A_223 : memref<!tpu.dma_semaphore, #tpu.memory_space<semaphore_mem>>)
    %mul3A_230 = arith.constant 128 : i32
    %mul3A_231 = arith.muli %add3A_211, %mul3A_230 : i32
    %dma_start3A_232 = arith.constant 1 : i32
    %dma_start3A_233 = arith.constant 1 : i32
    %dma_start3A_234 = arith.constant 0 : i32
    %dma_start3A_235 = arith.constant 0 : i32
    %dma_start3A_236 = tpu.memref_slice %arg11[%dma_start3A_232, %dma_start3A_234, %dma_start3A_235] : memref<2x128x128xf32, #tpu.memory_space<vmem>> -> memref<1x128x128xf32, #tpu.memory_space<vmem>>
    %dma_start3A_237 = tpu.memref_squeeze %dma_start3A_236 : memref<1x128x128xf32, #tpu.memory_space<vmem>> -> memref<128x128xf32, #tpu.memory_space<vmem>>
    %dma_start3A_238 = arith.constant 0 : i32
    %dma_start3A_239 = tpu.memref_slice %arg7[%mul3A_231, %dma_start3A_238] : memref<163840x128xf32, #tpu.memory_space<hbm>> -> memref<128x128xf32, #tpu.memory_space<hbm>>
    %dma_start3A_240 = tpu.memref_slice %arg15[%dma_start3A_233] : memref<2x!tpu.dma_semaphore, #tpu.memory_space<semaphore_mem>> -> memref<1x!tpu.dma_semaphore, #tpu.memory_space<semaphore_mem>>
    %dma_start3A_241 = tpu.memref_squeeze %dma_start3A_240 : memref<1x!tpu.dma_semaphore, #tpu.memory_space<semaphore_mem>> -> memref<!tpu.dma_semaphore, #tpu.memory_space<semaphore_mem>>
    %dma_start3A_242 = arith.constant 0 : i32
    %dma_start3A_243 = tpu.memref_slice %arg7[%mul3A_231, %dma_start3A_242] : memref<163840x128xf32, #tpu.memory_space<hbm>> -> memref<128x128xf32, #tpu.memory_space<hbm>>
    %dma_start3A_244 = arith.constant 0 : i32
    %dma_start3A_245 = arith.constant 0 : i32
    %dma_start3A_246 = tpu.memref_slice %arg11[%dma_start3A_232, %dma_start3A_244, %dma_start3A_245] : memref<2x128x128xf32, #tpu.memory_space<vmem>> -> memref<1x128x128xf32, #tpu.memory_space<vmem>>
    %dma_start3A_247 = tpu.memref_squeeze %dma_start3A_246 : memref<1x128x128xf32, #tpu.memory_space<vmem>> -> memref<128x128xf32, #tpu.memory_space<vmem>>
    tpu.enqueue_dma source(%dma_start3A_247 : memref<128x128xf32, #tpu.memory_space<vmem>>) target(%dma_start3A_243 : memref<128x128xf32, #tpu.memory_space<hbm>>) target_semaphore(%dma_start3A_241 : memref<!tpu.dma_semaphore, #tpu.memory_space<semaphore_mem>>)
    %dma_wait3A_248 = arith.constant 0 : i32
    %dma_wait3A_249 = arith.constant 0 : i32
    %dma_wait3A_250 = arith.constant 0 : i32
    %dma_wait3A_251 = arith.constant 0 : i32
    %dma_wait3A_252 = tpu.memref_slice %arg10[%dma_wait3A_248, %dma_wait3A_250, %dma_wait3A_251] : memref<2x128x128xf32, #tpu.memory_space<vmem>> -> memref<1x128x128xf32, #tpu.memory_space<vmem>>
    %dma_wait3A_253 = tpu.memref_squeeze %dma_wait3A_252 : memref<1x128x128xf32, #tpu.memory_space<vmem>> -> memref<128x128xf32, #tpu.memory_space<vmem>>
    %dma_wait3A_254 = arith.constant 0 : i32
    %dma_wait3A_255 = arith.constant 0 : i32
    %dma_wait3A_256 = tpu.memref_slice %arg6[%dma_wait3A_254, %dma_wait3A_255] : memref<163840x128xf32, #tpu.memory_space<hbm>> -> memref<128x128xf32, #tpu.memory_space<hbm>>
    %dma_wait3A_257 = tpu.memref_slice %arg13[%dma_wait3A_249] : memref<2x!tpu.dma_semaphore, #tpu.memory_space<semaphore_mem>> -> memref<1x!tpu.dma_semaphore, #tpu.memory_space<semaphore_mem>>
    %dma_wait3A_258 = tpu.memref_squeeze %dma_wait3A_257 : memref<1x!tpu.dma_semaphore, #tpu.memory_space<semaphore_mem>> -> memref<!tpu.dma_semaphore, #tpu.memory_space<semaphore_mem>>
    %dma_wait3A_259 = arith.constant 0 : i32
    %dma_wait3A_260 = arith.constant 0 : i32
    %dma_wait3A_261 = tpu.memref_slice %arg6[%dma_wait3A_259, %dma_wait3A_260] : memref<163840x128xf32, #tpu.memory_space<hbm>> -> memref<128x128xf32, #tpu.memory_space<hbm>>
    %dma_wait3A_262 = arith.constant 0 : i32
    %dma_wait3A_263 = arith.constant 0 : i32
    %dma_wait3A_264 = tpu.memref_slice %arg10[%dma_wait3A_248, %dma_wait3A_262, %dma_wait3A_263] : memref<2x128x128xf32, #tpu.memory_space<vmem>> -> memref<1x128x128xf32, #tpu.memory_space<vmem>>
    %dma_wait3A_265 = tpu.memref_squeeze %dma_wait3A_264 : memref<1x128x128xf32, #tpu.memory_space<vmem>> -> memref<128x128xf32, #tpu.memory_space<vmem>>
    tpu.wait_dma2 semaphore(%dma_wait3A_258 : memref<!tpu.dma_semaphore, #tpu.memory_space<semaphore_mem>>) src(%dma_wait3A_265 : memref<128x128xf32, #tpu.memory_space<vmem>>) dst(%dma_wait3A_261 : memref<128x128xf32, #tpu.memory_space<hbm>>)
    %dma_wait3A_266 = arith.constant 0 : i32
    %dma_wait3A_267 = arith.constant 0 : i32
    %dma_wait3A_268 = arith.constant 0 : i32
    %dma_wait3A_269 = arith.constant 0 : i32
    %dma_wait3A_270 = tpu.memref_slice %arg11[%dma_wait3A_266, %dma_wait3A_268, %dma_wait3A_269] : memref<2x128x128xf32, #tpu.memory_space<vmem>> -> memref<1x128x128xf32, #tpu.memory_space<vmem>>
    %dma_wait3A_271 = tpu.memref_squeeze %dma_wait3A_270 : memref<1x128x128xf32, #tpu.memory_space<vmem>> -> memref<128x128xf32, #tpu.memory_space<vmem>>
    %dma_wait3A_272 = arith.constant 0 : i32
    %dma_wait3A_273 = arith.constant 0 : i32
    %dma_wait3A_274 = tpu.memref_slice %arg7[%dma_wait3A_272, %dma_wait3A_273] : memref<163840x128xf32, #tpu.memory_space<hbm>> -> memref<128x128xf32, #tpu.memory_space<hbm>>
    %dma_wait3A_275 = tpu.memref_slice %arg15[%dma_wait3A_267] : memref<2x!tpu.dma_semaphore, #tpu.memory_space<semaphore_mem>> -> memref<1x!tpu.dma_semaphore, #tpu.memory_space<semaphore_mem>>
    %dma_wait3A_276 = tpu.memref_squeeze %dma_wait3A_275 : memref<1x!tpu.dma_semaphore, #tpu.memory_space<semaphore_mem>> -> memref<!tpu.dma_semaphore, #tpu.memory_space<semaphore_mem>>
    %dma_wait3A_277 = arith.constant 0 : i32
    %dma_wait3A_278 = arith.constant 0 : i32
    %dma_wait3A_279 = tpu.memref_slice %arg7[%dma_wait3A_277, %dma_wait3A_278] : memref<163840x128xf32, #tpu.memory_space<hbm>> -> memref<128x128xf32, #tpu.memory_space<hbm>>
    %dma_wait3A_280 = arith.constant 0 : i32
    %dma_wait3A_281 = arith.constant 0 : i32
    %dma_wait3A_282 = tpu.memref_slice %arg11[%dma_wait3A_266, %dma_wait3A_280, %dma_wait3A_281] : memref<2x128x128xf32, #tpu.memory_space<vmem>> -> memref<1x128x128xf32, #tpu.memory_space<vmem>>
    %dma_wait3A_283 = tpu.memref_squeeze %dma_wait3A_282 : memref<1x128x128xf32, #tpu.memory_space<vmem>> -> memref<128x128xf32, #tpu.memory_space<vmem>>
    tpu.wait_dma2 semaphore(%dma_wait3A_276 : memref<!tpu.dma_semaphore, #tpu.memory_space<semaphore_mem>>) src(%dma_wait3A_283 : memref<128x128xf32, #tpu.memory_space<vmem>>) dst(%dma_wait3A_279 : memref<128x128xf32, #tpu.memory_space<hbm>>)
    %dma_wait3A_284 = arith.constant 1 : i32
    %dma_wait3A_285 = arith.constant 1 : i32
    %dma_wait3A_286 = arith.constant 0 : i32
    %dma_wait3A_287 = arith.constant 0 : i32
    %dma_wait3A_288 = tpu.memref_slice %arg10[%dma_wait3A_284, %dma_wait3A_286, %dma_wait3A_287] : memref<2x128x128xf32, #tpu.memory_space<vmem>> -> memref<1x128x128xf32, #tpu.memory_space<vmem>>
    %dma_wait3A_289 = tpu.memref_squeeze %dma_wait3A_288 : memref<1x128x128xf32, #tpu.memory_space<vmem>> -> memref<128x128xf32, #tpu.memory_space<vmem>>
    %dma_wait3A_290 = arith.constant 0 : i32
    %dma_wait3A_291 = arith.constant 0 : i32
    %dma_wait3A_292 = tpu.memref_slice %arg6[%dma_wait3A_290, %dma_wait3A_291] : memref<163840x128xf32, #tpu.memory_space<hbm>> -> memref<128x128xf32, #tpu.memory_space<hbm>>
    %dma_wait3A_293 = tpu.memref_slice %arg13[%dma_wait3A_285] : memref<2x!tpu.dma_semaphore, #tpu.memory_space<semaphore_mem>> -> memref<1x!tpu.dma_semaphore, #tpu.memory_space<semaphore_mem>>
    %dma_wait3A_294 = tpu.memref_squeeze %dma_wait3A_293 : memref<1x!tpu.dma_semaphore, #tpu.memory_space<semaphore_mem>> -> memref<!tpu.dma_semaphore, #tpu.memory_space<semaphore_mem>>
    %dma_wait3A_295 = arith.constant 0 : i32
    %dma_wait3A_296 = arith.constant 0 : i32
    %dma_wait3A_297 = tpu.memref_slice %arg6[%dma_wait3A_295, %dma_wait3A_296] : memref<163840x128xf32, #tpu.memory_space<hbm>> -> memref<128x128xf32, #tpu.memory_space<hbm>>
    %dma_wait3A_298 = arith.constant 0 : i32
    %dma_wait3A_299 = arith.constant 0 : i32
    %dma_wait3A_300 = tpu.memref_slice %arg10[%dma_wait3A_284, %dma_wait3A_298, %dma_wait3A_299] : memref<2x128x128xf32, #tpu.memory_space<vmem>> -> memref<1x128x128xf32, #tpu.memory_space<vmem>>
    %dma_wait3A_301 = tpu.memref_squeeze %dma_wait3A_300 : memref<1x128x128xf32, #tpu.memory_space<vmem>> -> memref<128x128xf32, #tpu.memory_space<vmem>>
    tpu.wait_dma2 semaphore(%dma_wait3A_294 : memref<!tpu.dma_semaphore, #tpu.memory_space<semaphore_mem>>) src(%dma_wait3A_301 : memref<128x128xf32, #tpu.memory_space<vmem>>) dst(%dma_wait3A_297 : memref<128x128xf32, #tpu.memory_space<hbm>>)
    %dma_wait3A_302 = arith.constant 1 : i32
    %dma_wait3A_303 = arith.constant 1 : i32
    %dma_wait3A_304 = arith.constant 0 : i32
    %dma_wait3A_305 = arith.constant 0 : i32
    %dma_wait3A_306 = tpu.memref_slice %arg11[%dma_wait3A_302, %dma_wait3A_304, %dma_wait3A_305] : memref<2x128x128xf32, #tpu.memory_space<vmem>> -> memref<1x128x128xf32, #tpu.memory_space<vmem>>
    %dma_wait3A_307 = tpu.memref_squeeze %dma_wait3A_306 : memref<1x128x128xf32, #tpu.memory_space<vmem>> -> memref<128x128xf32, #tpu.memory_space<vmem>>
    %dma_wait3A_308 = arith.constant 0 : i32
    %dma_wait3A_309 = arith.constant 0 : i32
    %dma_wait3A_310 = tpu.memref_slice %arg7[%dma_wait3A_308, %dma_wait3A_309] : memref<163840x128xf32, #tpu.memory_space<hbm>> -> memref<128x128xf32, #tpu.memory_space<hbm>>
    %dma_wait3A_311 = tpu.memref_slice %arg15[%dma_wait3A_303] : memref<2x!tpu.dma_semaphore, #tpu.memory_space<semaphore_mem>> -> memref<1x!tpu.dma_semaphore, #tpu.memory_space<semaphore_mem>>
    %dma_wait3A_312 = tpu.memref_squeeze %dma_wait3A_311 : memref<1x!tpu.dma_semaphore, #tpu.memory_space<semaphore_mem>> -> memref<!tpu.dma_semaphore, #tpu.memory_space<semaphore_mem>>
    %dma_wait3A_313 = arith.constant 0 : i32
    %dma_wait3A_314 = arith.constant 0 : i32
    %dma_wait3A_315 = tpu.memref_slice %arg7[%dma_wait3A_313, %dma_wait3A_314] : memref<163840x128xf32, #tpu.memory_space<hbm>> -> memref<128x128xf32, #tpu.memory_space<hbm>>
    %dma_wait3A_316 = arith.constant 0 : i32
    %dma_wait3A_317 = arith.constant 0 : i32
    %dma_wait3A_318 = tpu.memref_slice %arg11[%dma_wait3A_302, %dma_wait3A_316, %dma_wait3A_317] : memref<2x128x128xf32, #tpu.memory_space<vmem>> -> memref<1x128x128xf32, #tpu.memory_space<vmem>>
    %dma_wait3A_319 = tpu.memref_squeeze %dma_wait3A_318 : memref<1x128x128xf32, #tpu.memory_space<vmem>> -> memref<128x128xf32, #tpu.memory_space<vmem>>
    tpu.wait_dma2 semaphore(%dma_wait3A_312 : memref<!tpu.dma_semaphore, #tpu.memory_space<semaphore_mem>>) src(%dma_wait3A_319 : memref<128x128xf32, #tpu.memory_space<vmem>>) dst(%dma_wait3A_315 : memref<128x128xf32, #tpu.memory_space<hbm>>)
    return
  }
}

#map = affine_map<(d0, d1) -> (0, 0)>
#map1 = affine_map<(d0, d1) -> (0, 0, 0)>
module attributes {stable_mosaic.version = 14 : i64} {
  func.func @scatter_k(%arg0: i32, %arg1: i32, %arg2: memref<163840x128xf32, #tpu.memory_space<hbm>>, %arg3: memref<163840x128xf32, #tpu.memory_space<hbm>>, %arg4: memref<1280x128xi32, #tpu.memory_space<hbm>>, %arg5: memref<1280x128xi32, #tpu.memory_space<hbm>>, %arg6: memref<10112x128xf32, #tpu.memory_space<hbm>>, %arg7: memref<128x128xf32, #tpu.memory_space<hbm>>, %arg8: memref<2x10112x128xf32, #tpu.memory_space<hbm>>, %arg9: memref<2x128x128xf32, #tpu.memory_space<hbm>>, %arg10: memref<40x128xi32, #tpu.memory_space<vmem>>, %arg11: memref<40x128xi32, #tpu.memory_space<vmem>>, %arg12: memref<128x128xf32, #tpu.memory_space<vmem>>, %arg13: memref<128x128xf32, #tpu.memory_space<vmem>>, %arg14: memref<10112x128xf32, #tpu.memory_space<vmem_shared>>, %arg15: memref<128x128xf32, #tpu.memory_space<vmem_shared>>) attributes {dimension_semantics = [#tpu.dimension_semantics<core_parallel>, #tpu.dimension_semantics<subcore_parallel>], iteration_bounds = array<i64: 2, 16>, scalar_prefetch = 0 : i64, scratch_operands = 6 : i64, tpu.core_type = #tpu.core_type<sc_vector_subcore>, window_params = [{transform_indices = #map}, {transform_indices = #map}, {transform_indices = #map}, {transform_indices = #map}, {transform_indices = #map}, {transform_indices = #map}, {transform_indices = #map1}, {transform_indices = #map1}]} {
    %mul3A = arith.constant 2 : i32
    %mul3A_0 = arith.muli %arg1, %mul3A : i32
    %add3A = arith.addi %mul3A_0, %arg0 : i32
    %mul3A_1 = arith.constant 40 : i32
    %mul3A_2 = arith.muli %add3A, %mul3A_1 : i32
    "tpu.region"() ({
      %run_scoped3A = tpu.sem_alloc : memref<!tpu.dma_semaphore, #tpu.memory_space<semaphore_mem>>
      %dma_start3A = arith.constant 0 : i32
      %dma_start3A_25 = tpu.memref_slice %arg4[%mul3A_2, %dma_start3A] : memref<1280x128xi32, #tpu.memory_space<hbm>> -> memref<40x128xi32, #tpu.memory_space<hbm>>
      %dma_start3A_26 = arith.constant 0 : i32
      %dma_start3A_27 = tpu.memref_slice %arg4[%mul3A_2, %dma_start3A_26] : memref<1280x128xi32, #tpu.memory_space<hbm>> -> memref<40x128xi32, #tpu.memory_space<hbm>>
      tpu.enqueue_dma source(%dma_start3A_27 : memref<40x128xi32, #tpu.memory_space<hbm>>) target(%arg10 : memref<40x128xi32, #tpu.memory_space<vmem>>) target_semaphore(%run_scoped3A : memref<!tpu.dma_semaphore, #tpu.memory_space<semaphore_mem>>)
      %dma_wait3A = arith.constant 0 : i32
      %dma_wait3A_28 = tpu.memref_slice %arg4[%mul3A_2, %dma_wait3A] : memref<1280x128xi32, #tpu.memory_space<hbm>> -> memref<40x128xi32, #tpu.memory_space<hbm>>
      %dma_wait3A_29 = arith.constant 0 : i32
      %dma_wait3A_30 = tpu.memref_slice %arg4[%mul3A_2, %dma_wait3A_29] : memref<1280x128xi32, #tpu.memory_space<hbm>> -> memref<40x128xi32, #tpu.memory_space<hbm>>
      tpu.wait_dma2 semaphore(%run_scoped3A : memref<!tpu.dma_semaphore, #tpu.memory_space<semaphore_mem>>) src(%dma_wait3A_30 : memref<40x128xi32, #tpu.memory_space<hbm>>) dst(%arg10 : memref<40x128xi32, #tpu.memory_space<vmem>>)
      tpu.yield
    }) : () -> ()
    "tpu.region"() ({
      %run_scoped3A = tpu.sem_alloc : memref<!tpu.dma_semaphore, #tpu.memory_space<semaphore_mem>>
      %dma_start3A = arith.constant 0 : i32
      %dma_start3A_25 = tpu.memref_slice %arg5[%mul3A_2, %dma_start3A] : memref<1280x128xi32, #tpu.memory_space<hbm>> -> memref<40x128xi32, #tpu.memory_space<hbm>>
      %dma_start3A_26 = arith.constant 0 : i32
      %dma_start3A_27 = tpu.memref_slice %arg5[%mul3A_2, %dma_start3A_26] : memref<1280x128xi32, #tpu.memory_space<hbm>> -> memref<40x128xi32, #tpu.memory_space<hbm>>
      tpu.enqueue_dma source(%dma_start3A_27 : memref<40x128xi32, #tpu.memory_space<hbm>>) target(%arg11 : memref<40x128xi32, #tpu.memory_space<vmem>>) target_semaphore(%run_scoped3A : memref<!tpu.dma_semaphore, #tpu.memory_space<semaphore_mem>>)
      %dma_wait3A = arith.constant 0 : i32
      %dma_wait3A_28 = tpu.memref_slice %arg5[%mul3A_2, %dma_wait3A] : memref<1280x128xi32, #tpu.memory_space<hbm>> -> memref<40x128xi32, #tpu.memory_space<hbm>>
      %dma_wait3A_29 = arith.constant 0 : i32
      %dma_wait3A_30 = tpu.memref_slice %arg5[%mul3A_2, %dma_wait3A_29] : memref<1280x128xi32, #tpu.memory_space<hbm>> -> memref<40x128xi32, #tpu.memory_space<hbm>>
      tpu.wait_dma2 semaphore(%run_scoped3A : memref<!tpu.dma_semaphore, #tpu.memory_space<semaphore_mem>>) src(%dma_wait3A_30 : memref<40x128xi32, #tpu.memory_space<hbm>>) dst(%arg11 : memref<40x128xi32, #tpu.memory_space<vmem>>)
      tpu.yield
    }) : () -> ()
    %mul3A_3 = arith.constant 632 : i32
    %mul3A_4 = arith.muli %arg1, %mul3A_3 : i32
    %mul3A_5 = arith.constant 632 : i32
    %mul3A_6 = arith.muli %arg1, %mul3A_5 : i32
    "tpu.region"() ({
      %run_scoped3A = tpu.sem_alloc : memref<!tpu.dma_semaphore, #tpu.memory_space<semaphore_mem>>
      %dma_start3A = arith.constant 0 : i32
      %dma_start3A_25 = tpu.memref_slice %arg14[%mul3A_6, %dma_start3A] : memref<10112x128xf32, #tpu.memory_space<vmem_shared>> -> memref<632x128xf32, #tpu.memory_space<vmem_shared>>
      %dma_start3A_26 = arith.constant 0 : i32
      %dma_start3A_27 = tpu.memref_slice %arg6[%mul3A_4, %dma_start3A_26] : memref<10112x128xf32, #tpu.memory_space<hbm>> -> memref<632x128xf32, #tpu.memory_space<hbm>>
      tpu.enqueue_dma source(%dma_start3A_27 : memref<632x128xf32, #tpu.memory_space<hbm>>) target(%dma_start3A_25 : memref<632x128xf32, #tpu.memory_space<vmem_shared>>) target_semaphore(%run_scoped3A : memref<!tpu.dma_semaphore, #tpu.memory_space<semaphore_mem>>)
      %dma_wait3A = arith.constant 0 : i32
      %dma_wait3A_28 = tpu.memref_slice %arg14[%mul3A_6, %dma_wait3A] : memref<10112x128xf32, #tpu.memory_space<vmem_shared>> -> memref<632x128xf32, #tpu.memory_space<vmem_shared>>
      %dma_wait3A_29 = arith.constant 0 : i32
      %dma_wait3A_30 = tpu.memref_slice %arg6[%mul3A_4, %dma_wait3A_29] : memref<10112x128xf32, #tpu.memory_space<hbm>> -> memref<632x128xf32, #tpu.memory_space<hbm>>
      tpu.wait_dma2 semaphore(%run_scoped3A : memref<!tpu.dma_semaphore, #tpu.memory_space<semaphore_mem>>) src(%dma_wait3A_30 : memref<632x128xf32, #tpu.memory_space<hbm>>) dst(%dma_wait3A_28 : memref<632x128xf32, #tpu.memory_space<vmem_shared>>)
      tpu.yield
    }) : () -> ()
    %mul3A_7 = arith.constant 8 : i32
    %mul3A_8 = arith.muli %arg1, %mul3A_7 : i32
    %mul3A_9 = arith.constant 8 : i32
    %mul3A_10 = arith.muli %arg1, %mul3A_9 : i32
    "tpu.region"() ({
      %run_scoped3A = tpu.sem_alloc : memref<!tpu.dma_semaphore, #tpu.memory_space<semaphore_mem>>
      %dma_start3A = arith.constant 0 : i32
      %dma_start3A_25 = tpu.memref_slice %arg15[%mul3A_10, %dma_start3A] : memref<128x128xf32, #tpu.memory_space<vmem_shared>> -> memref<8x128xf32, #tpu.memory_space<vmem_shared>>
      %dma_start3A_26 = arith.constant 0 : i32
      %dma_start3A_27 = tpu.memref_slice %arg7[%mul3A_8, %dma_start3A_26] : memref<128x128xf32, #tpu.memory_space<hbm>> -> memref<8x128xf32, #tpu.memory_space<hbm>>
      tpu.enqueue_dma source(%dma_start3A_27 : memref<8x128xf32, #tpu.memory_space<hbm>>) target(%dma_start3A_25 : memref<8x128xf32, #tpu.memory_space<vmem_shared>>) target_semaphore(%run_scoped3A : memref<!tpu.dma_semaphore, #tpu.memory_space<semaphore_mem>>)
      %dma_wait3A = arith.constant 0 : i32
      %dma_wait3A_28 = tpu.memref_slice %arg15[%mul3A_10, %dma_wait3A] : memref<128x128xf32, #tpu.memory_space<vmem_shared>> -> memref<8x128xf32, #tpu.memory_space<vmem_shared>>
      %dma_wait3A_29 = arith.constant 0 : i32
      %dma_wait3A_30 = tpu.memref_slice %arg7[%mul3A_8, %dma_wait3A_29] : memref<128x128xf32, #tpu.memory_space<hbm>> -> memref<8x128xf32, #tpu.memory_space<hbm>>
      tpu.wait_dma2 semaphore(%run_scoped3A : memref<!tpu.dma_semaphore, #tpu.memory_space<semaphore_mem>>) src(%dma_wait3A_30 : memref<8x128xf32, #tpu.memory_space<hbm>>) dst(%dma_wait3A_28 : memref<8x128xf32, #tpu.memory_space<vmem_shared>>)
      tpu.yield
    }) : () -> ()
    %barrier3A = arith.constant 0 : index
    tpu.barrier barrier_id(%barrier3A)
    %scan3A = arith.constant 0 : i32
    %scan3A_11 = arith.constant 0 : i32
    %scan3A_12 = arith.constant 40 : i32
    %scan3A_13 = arith.addi %scan3A_11, %scan3A_12 : i32
    %scan3A_14 = arith.constant 1 : i32
    scf.for %scan3A_25 = %scan3A_11 to %scan3A_13 step %scan3A_14  : i32 {
      %add3A_26 = arith.addi %mul3A_2, %scan3A_25 : i32
      %mul3A_27 = arith.constant 128 : i32
      %mul3A_28 = arith.muli %add3A_26, %mul3A_27 : i32
      "tpu.region"() ({
        %run_scoped3A = tpu.sem_alloc : memref<!tpu.dma_semaphore, #tpu.memory_space<semaphore_mem>>
        %dma_start3A = arith.constant 0 : i32
        %dma_start3A_31 = tpu.memref_slice %arg2[%mul3A_28, %dma_start3A] : memref<163840x128xf32, #tpu.memory_space<hbm>> -> memref<128x128xf32, #tpu.memory_space<hbm>>
        %dma_start3A_32 = arith.constant 0 : i32
        %dma_start3A_33 = tpu.memref_slice %arg2[%mul3A_28, %dma_start3A_32] : memref<163840x128xf32, #tpu.memory_space<hbm>> -> memref<128x128xf32, #tpu.memory_space<hbm>>
        tpu.enqueue_dma source(%dma_start3A_33 : memref<128x128xf32, #tpu.memory_space<hbm>>) target(%arg12 : memref<128x128xf32, #tpu.memory_space<vmem>>) target_semaphore(%run_scoped3A : memref<!tpu.dma_semaphore, #tpu.memory_space<semaphore_mem>>)
        %dma_wait3A = arith.constant 0 : i32
        %dma_wait3A_34 = tpu.memref_slice %arg2[%mul3A_28, %dma_wait3A] : memref<163840x128xf32, #tpu.memory_space<hbm>> -> memref<128x128xf32, #tpu.memory_space<hbm>>
        %dma_wait3A_35 = arith.constant 0 : i32
        %dma_wait3A_36 = tpu.memref_slice %arg2[%mul3A_28, %dma_wait3A_35] : memref<163840x128xf32, #tpu.memory_space<hbm>> -> memref<128x128xf32, #tpu.memory_space<hbm>>
        tpu.wait_dma2 semaphore(%run_scoped3A : memref<!tpu.dma_semaphore, #tpu.memory_space<semaphore_mem>>) src(%dma_wait3A_36 : memref<128x128xf32, #tpu.memory_space<hbm>>) dst(%arg12 : memref<128x128xf32, #tpu.memory_space<vmem>>)
        tpu.yield
      }) : () -> ()
      %mul3A_29 = arith.constant 128 : i32
      %mul3A_30 = arith.muli %add3A_26, %mul3A_29 : i32
      "tpu.region"() ({
        %run_scoped3A = tpu.sem_alloc : memref<!tpu.dma_semaphore, #tpu.memory_space<semaphore_mem>>
        %dma_start3A = arith.constant 0 : i32
        %dma_start3A_31 = tpu.memref_slice %arg3[%mul3A_30, %dma_start3A] : memref<163840x128xf32, #tpu.memory_space<hbm>> -> memref<128x128xf32, #tpu.memory_space<hbm>>
        %dma_start3A_32 = arith.constant 0 : i32
        %dma_start3A_33 = tpu.memref_slice %arg3[%mul3A_30, %dma_start3A_32] : memref<163840x128xf32, #tpu.memory_space<hbm>> -> memref<128x128xf32, #tpu.memory_space<hbm>>
        tpu.enqueue_dma source(%dma_start3A_33 : memref<128x128xf32, #tpu.memory_space<hbm>>) target(%arg13 : memref<128x128xf32, #tpu.memory_space<vmem>>) target_semaphore(%run_scoped3A : memref<!tpu.dma_semaphore, #tpu.memory_space<semaphore_mem>>)
        %dma_wait3A = arith.constant 0 : i32
        %dma_wait3A_34 = tpu.memref_slice %arg3[%mul3A_30, %dma_wait3A] : memref<163840x128xf32, #tpu.memory_space<hbm>> -> memref<128x128xf32, #tpu.memory_space<hbm>>
        %dma_wait3A_35 = arith.constant 0 : i32
        %dma_wait3A_36 = tpu.memref_slice %arg3[%mul3A_30, %dma_wait3A_35] : memref<163840x128xf32, #tpu.memory_space<hbm>> -> memref<128x128xf32, #tpu.memory_space<hbm>>
        tpu.wait_dma2 semaphore(%run_scoped3A : memref<!tpu.dma_semaphore, #tpu.memory_space<semaphore_mem>>) src(%dma_wait3A_36 : memref<128x128xf32, #tpu.memory_space<hbm>>) dst(%arg13 : memref<128x128xf32, #tpu.memory_space<vmem>>)
        tpu.yield
      }) : () -> ()
      "tpu.region"() ({
        %run_scoped3A = tpu.sem_alloc : memref<!tpu.dma_semaphore, #tpu.memory_space<semaphore_mem>>
        %dma_start3A = arith.constant 0 : i32
        %dma_start3A_31 = tpu.memref_slice %arg10[%scan3A_25, %dma_start3A] : memref<40x128xi32, #tpu.memory_space<vmem>> -> memref<1x128xi32, #tpu.memory_space<vmem>>
        %dma_start3A_32 = tpu.memref_squeeze %dma_start3A_31 : memref<1x128xi32, #tpu.memory_space<vmem>> -> memref<128xi32, #tpu.memory_space<vmem>>
        %dma_start3A_33 = arith.constant 0 : i32
        %dma_start3A_34 = arith.constant 0 : i32
        %dma_start3A_35 = tpu.memref_slice %arg14[%dma_start3A_33, %dma_start3A_34] : memref<10112x128xf32, #tpu.memory_space<vmem_shared>> -> memref<10112x128xf32, #tpu.memory_space<vmem_shared>>
        tpu.enqueue_indirect_dma source(%arg12 : memref<128x128xf32, #tpu.memory_space<vmem>>) target(%dma_start3A_35 : memref<10112x128xf32, #tpu.memory_space<vmem_shared>>) offsets(%dma_start3A_32 : memref<128xi32, #tpu.memory_space<vmem>>) semaphore(%run_scoped3A : memref<!tpu.dma_semaphore, #tpu.memory_space<semaphore_mem>>) {add = true}
        %dma_wait3A = arith.constant 0 : i32
        %dma_wait3A_36 = tpu.memref_slice %arg10[%scan3A_25, %dma_wait3A] : memref<40x128xi32, #tpu.memory_space<vmem>> -> memref<1x128xi32, #tpu.memory_space<vmem>>
        %dma_wait3A_37 = tpu.memref_squeeze %dma_wait3A_36 : memref<1x128xi32, #tpu.memory_space<vmem>> -> memref<128xi32, #tpu.memory_space<vmem>>
        %dma_wait3A_38 = arith.constant 0 : i32
        %dma_wait3A_39 = arith.constant 0 : i32
        %dma_wait3A_40 = tpu.memref_slice %arg14[%dma_wait3A_38, %dma_wait3A_39] : memref<10112x128xf32, #tpu.memory_space<vmem_shared>> -> memref<10112x128xf32, #tpu.memory_space<vmem_shared>>
        tpu.wait_indirect_dma semaphore(%run_scoped3A : memref<!tpu.dma_semaphore, #tpu.memory_space<semaphore_mem>>) src(%arg12 : memref<128x128xf32, #tpu.memory_space<vmem>>) dst(%dma_wait3A_40 : memref<10112x128xf32, #tpu.memory_space<vmem_shared>>)
        tpu.yield
      }) : () -> ()
      "tpu.region"() ({
        %run_scoped3A = tpu.sem_alloc : memref<!tpu.dma_semaphore, #tpu.memory_space<semaphore_mem>>
        %dma_start3A = arith.constant 0 : i32
        %dma_start3A_31 = tpu.memref_slice %arg11[%scan3A_25, %dma_start3A] : memref<40x128xi32, #tpu.memory_space<vmem>> -> memref<1x128xi32, #tpu.memory_space<vmem>>
        %dma_start3A_32 = tpu.memref_squeeze %dma_start3A_31 : memref<1x128xi32, #tpu.memory_space<vmem>> -> memref<128xi32, #tpu.memory_space<vmem>>
        %dma_start3A_33 = arith.constant 0 : i32
        %dma_start3A_34 = arith.constant 0 : i32
        %dma_start3A_35 = tpu.memref_slice %arg15[%dma_start3A_33, %dma_start3A_34] : memref<128x128xf32, #tpu.memory_space<vmem_shared>> -> memref<128x128xf32, #tpu.memory_space<vmem_shared>>
        tpu.enqueue_indirect_dma source(%arg13 : memref<128x128xf32, #tpu.memory_space<vmem>>) target(%dma_start3A_35 : memref<128x128xf32, #tpu.memory_space<vmem_shared>>) offsets(%dma_start3A_32 : memref<128xi32, #tpu.memory_space<vmem>>) semaphore(%run_scoped3A : memref<!tpu.dma_semaphore, #tpu.memory_space<semaphore_mem>>) {add = true}
        %dma_wait3A = arith.constant 0 : i32
        %dma_wait3A_36 = tpu.memref_slice %arg11[%scan3A_25, %dma_wait3A] : memref<40x128xi32, #tpu.memory_space<vmem>> -> memref<1x128xi32, #tpu.memory_space<vmem>>
        %dma_wait3A_37 = tpu.memref_squeeze %dma_wait3A_36 : memref<1x128xi32, #tpu.memory_space<vmem>> -> memref<128xi32, #tpu.memory_space<vmem>>
        %dma_wait3A_38 = arith.constant 0 : i32
        %dma_wait3A_39 = arith.constant 0 : i32
        %dma_wait3A_40 = tpu.memref_slice %arg15[%dma_wait3A_38, %dma_wait3A_39] : memref<128x128xf32, #tpu.memory_space<vmem_shared>> -> memref<128x128xf32, #tpu.memory_space<vmem_shared>>
        tpu.wait_indirect_dma semaphore(%run_scoped3A : memref<!tpu.dma_semaphore, #tpu.memory_space<semaphore_mem>>) src(%arg13 : memref<128x128xf32, #tpu.memory_space<vmem>>) dst(%dma_wait3A_40 : memref<128x128xf32, #tpu.memory_space<vmem_shared>>)
        tpu.yield
      }) : () -> ()
    }
    %scan3A_15 = arith.constant 40 : i32
    %barrier3A_16 = arith.constant 0 : index
    tpu.barrier barrier_id(%barrier3A_16)
    %mul3A_17 = arith.constant 632 : i32
    %mul3A_18 = arith.muli %arg1, %mul3A_17 : i32
    %mul3A_19 = arith.constant 632 : i32
    %mul3A_20 = arith.muli %arg1, %mul3A_19 : i32
    "tpu.region"() ({
      %run_scoped3A = tpu.sem_alloc : memref<!tpu.dma_semaphore, #tpu.memory_space<semaphore_mem>>
      %dma_start3A = arith.constant 0 : i32
      %dma_start3A_25 = tpu.memref_slice %arg8[%arg0, %mul3A_20, %dma_start3A] : memref<2x10112x128xf32, #tpu.memory_space<hbm>> -> memref<1x632x128xf32, #tpu.memory_space<hbm>>
      %dma_start3A_26 = tpu.memref_squeeze %dma_start3A_25 : memref<1x632x128xf32, #tpu.memory_space<hbm>> -> memref<632x128xf32, #tpu.memory_space<hbm>>
      %dma_start3A_27 = arith.constant 0 : i32
      %dma_start3A_28 = tpu.memref_slice %arg14[%mul3A_18, %dma_start3A_27] : memref<10112x128xf32, #tpu.memory_space<vmem_shared>> -> memref<632x128xf32, #tpu.memory_space<vmem_shared>>
      tpu.enqueue_dma source(%dma_start3A_28 : memref<632x128xf32, #tpu.memory_space<vmem_shared>>) target(%dma_start3A_26 : memref<632x128xf32, #tpu.memory_space<hbm>>) target_semaphore(%run_scoped3A : memref<!tpu.dma_semaphore, #tpu.memory_space<semaphore_mem>>)
      %dma_wait3A = arith.constant 0 : i32
      %dma_wait3A_29 = tpu.memref_slice %arg8[%arg0, %mul3A_20, %dma_wait3A] : memref<2x10112x128xf32, #tpu.memory_space<hbm>> -> memref<1x632x128xf32, #tpu.memory_space<hbm>>
      %dma_wait3A_30 = tpu.memref_squeeze %dma_wait3A_29 : memref<1x632x128xf32, #tpu.memory_space<hbm>> -> memref<632x128xf32, #tpu.memory_space<hbm>>
      %dma_wait3A_31 = arith.constant 0 : i32
      %dma_wait3A_32 = tpu.memref_slice %arg14[%mul3A_18, %dma_wait3A_31] : memref<10112x128xf32, #tpu.memory_space<vmem_shared>> -> memref<632x128xf32, #tpu.memory_space<vmem_shared>>
      tpu.wait_dma2 semaphore(%run_scoped3A : memref<!tpu.dma_semaphore, #tpu.memory_space<semaphore_mem>>) src(%dma_wait3A_32 : memref<632x128xf32, #tpu.memory_space<vmem_shared>>) dst(%dma_wait3A_30 : memref<632x128xf32, #tpu.memory_space<hbm>>)
      tpu.yield
    }) : () -> ()
    %mul3A_21 = arith.constant 8 : i32
    %mul3A_22 = arith.muli %arg1, %mul3A_21 : i32
    %mul3A_23 = arith.constant 8 : i32
    %mul3A_24 = arith.muli %arg1, %mul3A_23 : i32
    "tpu.region"() ({
      %run_scoped3A = tpu.sem_alloc : memref<!tpu.dma_semaphore, #tpu.memory_space<semaphore_mem>>
      %dma_start3A = arith.constant 0 : i32
      %dma_start3A_25 = tpu.memref_slice %arg9[%arg0, %mul3A_24, %dma_start3A] : memref<2x128x128xf32, #tpu.memory_space<hbm>> -> memref<1x8x128xf32, #tpu.memory_space<hbm>>
      %dma_start3A_26 = tpu.memref_squeeze %dma_start3A_25 : memref<1x8x128xf32, #tpu.memory_space<hbm>> -> memref<8x128xf32, #tpu.memory_space<hbm>>
      %dma_start3A_27 = arith.constant 0 : i32
      %dma_start3A_28 = tpu.memref_slice %arg15[%mul3A_22, %dma_start3A_27] : memref<128x128xf32, #tpu.memory_space<vmem_shared>> -> memref<8x128xf32, #tpu.memory_space<vmem_shared>>
      tpu.enqueue_dma source(%dma_start3A_28 : memref<8x128xf32, #tpu.memory_space<vmem_shared>>) target(%dma_start3A_26 : memref<8x128xf32, #tpu.memory_space<hbm>>) target_semaphore(%run_scoped3A : memref<!tpu.dma_semaphore, #tpu.memory_space<semaphore_mem>>)
      %dma_wait3A = arith.constant 0 : i32
      %dma_wait3A_29 = tpu.memref_slice %arg9[%arg0, %mul3A_24, %dma_wait3A] : memref<2x128x128xf32, #tpu.memory_space<hbm>> -> memref<1x8x128xf32, #tpu.memory_space<hbm>>
      %dma_wait3A_30 = tpu.memref_squeeze %dma_wait3A_29 : memref<1x8x128xf32, #tpu.memory_space<hbm>> -> memref<8x128xf32, #tpu.memory_space<hbm>>
      %dma_wait3A_31 = arith.constant 0 : i32
      %dma_wait3A_32 = tpu.memref_slice %arg15[%mul3A_22, %dma_wait3A_31] : memref<128x128xf32, #tpu.memory_space<vmem_shared>> -> memref<8x128xf32, #tpu.memory_space<vmem_shared>>
      tpu.wait_dma2 semaphore(%run_scoped3A : memref<!tpu.dma_semaphore, #tpu.memory_space<semaphore_mem>>) src(%dma_wait3A_32 : memref<8x128xf32, #tpu.memory_space<vmem_shared>>) dst(%dma_wait3A_30 : memref<8x128xf32, #tpu.memory_space<hbm>>)
      tpu.yield
    }) : () -> ()
    return
  }
}

module attributes {stable_mosaic.version = 14 : i64} {
  func.func @_prep_body(%arg0: memref<10000x128xf32, #tpu.memory_space<vmem>>, %arg1: memref<128x128xf32, #tpu.memory_space<vmem>>, %arg2: memref<512x80xf32, #tpu.memory_space<vmem>>, %arg3: memref<80x80xf32, #tpu.memory_space<vmem>>, %arg4: memref<10000x128xf32, #tpu.memory_space<vmem>>, %arg5: memref<512x80xf32, #tpu.memory_space<vmem>>) attributes {dimension_semantics = [], scalar_prefetch = 0 : i64, scratch_operands = 0 : i64, tpu.core_type = #tpu.core_type<tc>} {
    %get3A = arith.constant 0 : index
    %get3A_0 = arith.constant 0 : index
    %get3A_1 = vector.load %arg0[%get3A, %get3A_0] : memref<10000x128xf32, #tpu.memory_space<vmem>>, vector<10000x128xf32>
    %get3A_2 = arith.constant 0 : index
    %get3A_3 = arith.constant 0 : index
    %get3A_4 = vector.load %arg1[%get3A_2, %get3A_3] : memref<128x128xf32, #tpu.memory_space<vmem>>, vector<128x128xf32>
    %dot_general3A = arith.constant dense<0.000000e+00> : vector<10000x128xf32>
    %dot_general3A_5 = tpu.matmul %get3A_1, %get3A_4, %dot_general3A {dimension_numbers = #tpu.dot_dimension_numbers<[1], [0], [0], [1], [0, 0, 1, 1], [], []>, transpose_lhs_hint = false} : vector<10000x128xf32>, vector<128x128xf32>, vector<10000x128xf32> -> vector<10000x128xf32>
    %swap3A = arith.constant 0 : index
    %swap3A_6 = arith.constant 0 : index
    %swap3A_7 = vector.load %arg4[%swap3A, %swap3A_6] : memref<10000x128xf32, #tpu.memory_space<vmem>>, vector<10000x128xf32>
    tpu.vector_store %arg4[%swap3A, %swap3A_6], %dot_general3A_5 {strides = array<i32>} : memref<10000x128xf32, #tpu.memory_space<vmem>>, vector<10000x128xf32>,
    %get3A_8 = arith.constant 0 : index
    %get3A_9 = arith.constant 0 : index
    %get3A_10 = vector.load %arg2[%get3A_8, %get3A_9] : memref<512x80xf32, #tpu.memory_space<vmem>>, vector<512x80xf32>
    %get3A_11 = arith.constant 0 : index
    %get3A_12 = arith.constant 0 : index
    %get3A_13 = vector.load %arg3[%get3A_11, %get3A_12] : memref<80x80xf32, #tpu.memory_space<vmem>>, vector<80x80xf32>
    %dot_general3A_14 = arith.constant dense<0.000000e+00> : vector<512x80xf32>
    %dot_general3A_15 = tpu.matmul %get3A_10, %get3A_13, %dot_general3A_14 {dimension_numbers = #tpu.dot_dimension_numbers<[1], [1], [0], [0], [0, 0, 1, 0], [], []>, transpose_lhs_hint = false} : vector<512x80xf32>, vector<80x80xf32>, vector<512x80xf32> -> vector<512x80xf32>
    %swap3A_16 = arith.constant 0 : index
    %swap3A_17 = arith.constant 0 : index
    %swap3A_18 = vector.load %arg5[%swap3A_16, %swap3A_17] : memref<512x80xf32, #tpu.memory_space<vmem>>, vector<512x80xf32>
    tpu.vector_store %arg5[%swap3A_16, %swap3A_17], %dot_general3A_15 {strides = array<i32>} : memref<512x80xf32, #tpu.memory_space<vmem>>, vector<512x80xf32>,
    return
  }
}

module attributes {stable_mosaic.version = 14 : i64} {
  func.func @_dense_body(%arg0: i32, %arg1: memref<1024x128xf32, #tpu.memory_space<vmem>>, %arg2: memref<1024x128xf32, #tpu.memory_space<vmem>>, %arg3: memref<1024x16xf32, #tpu.memory_space<vmem>>, %arg4: memref<1024x4xf32, #tpu.memory_space<vmem>>, %arg5: memref<1024x1xi32, #tpu.memory_space<vmem>>, %arg6: memref<16x128xf32, #tpu.memory_space<vmem>>, %arg7: memref<1x128xf32, #tpu.memory_space<vmem>>, %arg8: memref<64x512xf32, #tpu.memory_space<vmem>>, %arg9: memref<64x512xf32, #tpu.memory_space<vmem>>, %arg10: memref<512x128xf32, #tpu.memory_space<vmem>>, %arg11: memref<512x128xf32, #tpu.memory_space<vmem>>, %arg12: memref<1024x128xf32, #tpu.memory_space<vmem>>, %arg13: memref<1024x128xf32, #tpu.memory_space<vmem>>) attributes {dimension_semantics = [#tpu.dimension_semantics<arbitrary>], iteration_bounds = array<i64: 160>, scalar_prefetch = 0 : i64, scratch_operands = 0 : i64, tpu.core_type = #tpu.core_type<tc>, window_params = [{transform_indices = @transform_0, window_bounds = array<i64: 1024, 128>}, {transform_indices = @transform_1, window_bounds = array<i64: 1024, 128>}, {transform_indices = @transform_2, window_bounds = array<i64: 1024, 16>}, {transform_indices = @transform_3, window_bounds = array<i64: 1024, 4>}, {transform_indices = @transform_4, window_bounds = array<i64: 1024, 1>}, {pipeline_mode = #tpu.pipeline_mode<synchronous>, transform_indices = @transform_5, window_bounds = array<i64: 16, 128>}, {pipeline_mode = #tpu.pipeline_mode<synchronous>, transform_indices = @transform_6, window_bounds = array<i64: 1, 128>}, {pipeline_mode = #tpu.pipeline_mode<synchronous>, transform_indices = @transform_7, window_bounds = array<i64: 64, 512>}, {pipeline_mode = #tpu.pipeline_mode<synchronous>, transform_indices = @transform_8, window_bounds = array<i64: 64, 512>}, {pipeline_mode = #tpu.pipeline_mode<synchronous>, transform_indices = @transform_9, window_bounds = array<i64: 512, 128>}, {pipeline_mode = #tpu.pipeline_mode<synchronous>, transform_indices = @transform_10, window_bounds = array<i64: 512, 128>}, {transform_indices = @transform_11, window_bounds = array<i64: 1024, 128>}, {transform_indices = @transform_12, window_bounds = array<i64: 1024, 128>}]} {
    %get3A = arith.constant 0 : index
    %get3A_0 = arith.constant 0 : index
    %get3A_1 = vector.load %arg3[%get3A, %get3A_0] : memref<1024x16xf32, #tpu.memory_space<vmem>>, vector<1024x16xf32>
    %get3A_2 = arith.constant 0 : index
    %get3A_3 = arith.constant 0 : index
    %get3A_4 = vector.load %arg6[%get3A_2, %get3A_3] : memref<16x128xf32, #tpu.memory_space<vmem>>, vector<16x128xf32>
    %dot_general3A = arith.constant dense<0.000000e+00> : vector<1024x128xf32>
    %dot_general3A_5 = tpu.matmul %get3A_1, %get3A_4, %dot_general3A {dimension_numbers = #tpu.dot_dimension_numbers<[1], [0], [0], [1], [0, 0, 1, 1], [], []>, transpose_lhs_hint = false} : vector<1024x16xf32>, vector<16x128xf32>, vector<1024x128xf32> -> vector<1024x128xf32>
    %get3A_6 = arith.constant 0 : index
    %get3A_7 = arith.constant 0 : index
    %get3A_8 = vector.load %arg7[%get3A_6, %get3A_7] : memref<1x128xf32, #tpu.memory_space<vmem>>, vector<1x128xf32>
    %add3A = vector.broadcast %get3A_8 : vector<1x128xf32> to vector<1024x128xf32>
    %add3A_9 = arith.addf %dot_general3A_5, %add3A : vector<1024x128xf32>
    %max3A = arith.constant 0.000000e+00 : f32
    %max3A_10 = vector.broadcast %max3A : f32 to vector<1024x128xf32>
    %max3A_11 = arith.maximumf %add3A_9, %max3A_10 : vector<1024x128xf32>
    %convert_element_type3A = arith.truncf %max3A_11 : vector<1024x128xf32> to vector<1024x128xbf16>
    %slice3A = vector.extract_strided_slice %convert_element_type3A {offsets = [0, 0], sizes = [1024, 64], strides = [1, 1]} : vector<1024x128xbf16> to vector<1024x64xbf16>
    %get3A_12 = arith.constant 0 : index
    %get3A_13 = arith.constant 0 : index
    %get3A_14 = vector.load %arg8[%get3A_12, %get3A_13] : memref<64x512xf32, #tpu.memory_space<vmem>>, vector<64x512xf32>
    %convert_element_type3A_15 = arith.truncf %get3A_14 : vector<64x512xf32> to vector<64x512xbf16>
    %dot_general3A_16 = arith.constant dense<0.000000e+00> : vector<1024x512xf32>
    %dot_general3A_17 = tpu.matmul %slice3A, %convert_element_type3A_15, %dot_general3A_16 {dimension_numbers = #tpu.dot_dimension_numbers<[1], [0], [0], [1], [0, 0, 1, 1], [], []>, transpose_lhs_hint = false} : vector<1024x64xbf16>, vector<64x512xbf16>, vector<1024x512xf32> -> vector<1024x512xf32>
    %slice3A_18 = vector.extract_strided_slice %convert_element_type3A {offsets = [0, 64], sizes = [1024, 64], strides = [1, 1]} : vector<1024x128xbf16> to vector<1024x64xbf16>
    %get3A_19 = arith.constant 0 : index
    %get3A_20 = arith.constant 0 : index
    %get3A_21 = vector.load %arg9[%get3A_19, %get3A_20] : memref<64x512xf32, #tpu.memory_space<vmem>>, vector<64x512xf32>
    %convert_element_type3A_22 = arith.truncf %get3A_21 : vector<64x512xf32> to vector<64x512xbf16>
    %dot_general3A_23 = arith.constant dense<0.000000e+00> : vector<1024x512xf32>
    %dot_general3A_24 = tpu.matmul %slice3A_18, %convert_element_type3A_22, %dot_general3A_23 {dimension_numbers = #tpu.dot_dimension_numbers<[1], [0], [0], [1], [0, 0, 1, 1], [], []>, transpose_lhs_hint = false} : vector<1024x64xbf16>, vector<64x512xbf16>, vector<1024x512xf32> -> vector<1024x512xf32>
    %get3A_25 = arith.constant 0 : index
    %get3A_26 = arith.constant 0 : index
    %get3A_27 = vector.load %arg1[%get3A_25, %get3A_26] : memref<1024x128xf32, #tpu.memory_space<vmem>>, vector<1024x128xf32>
    %get3A_28 = arith.constant 0 : index
    %get3A_29 = arith.constant 0 : index
    %get3A_30 = vector.load %arg4[%get3A_28, %get3A_29] : memref<1024x4xf32, #tpu.memory_space<vmem>>, vector<1024x4xf32>
    %slice3A_31 = vector.extract_strided_slice %get3A_30 {offsets = [0, 0], sizes = [1024, 1], strides = [1, 1]} : vector<1024x4xf32> to vector<1024x1xf32>
    %mul3A = vector.broadcast %slice3A_31 : vector<1024x1xf32> to vector<1024x128xf32>
    %mul3A_32 = arith.mulf %get3A_27, %mul3A : vector<1024x128xf32>
    %slice3A_33 = vector.extract_strided_slice %get3A_30 {offsets = [0, 1], sizes = [1024, 1], strides = [1, 1]} : vector<1024x4xf32> to vector<1024x1xf32>
    %mul3A_34 = vector.broadcast %slice3A_33 : vector<1024x1xf32> to vector<1024x128xf32>
    %mul3A_35 = arith.mulf %get3A_27, %mul3A_34 : vector<1024x128xf32>
    %slice3A_36 = vector.extract_strided_slice %get3A_30 {offsets = [0, 2], sizes = [1024, 1], strides = [1, 1]} : vector<1024x4xf32> to vector<1024x1xf32>
    %mul3A_37 = vector.broadcast %slice3A_36 : vector<1024x1xf32> to vector<1024x128xf32>
    %mul3A_38 = arith.mulf %get3A_27, %mul3A_37 : vector<1024x128xf32>
    %slice3A_39 = vector.extract_strided_slice %get3A_30 {offsets = [0, 3], sizes = [1024, 1], strides = [1, 1]} : vector<1024x4xf32> to vector<1024x1xf32>
    %mul3A_40 = vector.broadcast %slice3A_39 : vector<1024x1xf32> to vector<1024x128xf32>
    %mul3A_41 = arith.mulf %get3A_27, %mul3A_40 : vector<1024x128xf32>
    %concatenate3A = tpu.concatenate %mul3A_32, %mul3A_35, %mul3A_38, %mul3A_41 in 1 : vector<1024x128xf32>, vector<1024x128xf32>, vector<1024x128xf32>, vector<1024x128xf32> -> vector<1024x512xf32>
    %mul3A_42 = arith.mulf %concatenate3A, %dot_general3A_17 : vector<1024x512xf32>
    %convert_element_type3A_43 = arith.truncf %mul3A_42 : vector<1024x512xf32> to vector<1024x512xbf16>
    %get3A_44 = arith.constant 0 : index
    %get3A_45 = arith.constant 0 : index
    %get3A_46 = vector.load %arg10[%get3A_44, %get3A_45] : memref<512x128xf32, #tpu.memory_space<vmem>>, vector<512x128xf32>
    %convert_element_type3A_47 = arith.truncf %get3A_46 : vector<512x128xf32> to vector<512x128xbf16>
    %dot_general3A_48 = arith.constant dense<0.000000e+00> : vector<1024x128xf32>
    %dot_general3A_49 = tpu.matmul %convert_element_type3A_43, %convert_element_type3A_47, %dot_general3A_48 {dimension_numbers = #tpu.dot_dimension_numbers<[1], [0], [0], [1], [0, 0, 1, 1], [], []>, transpose_lhs_hint = false} : vector<1024x512xbf16>, vector<512x128xbf16>, vector<1024x128xf32> -> vector<1024x128xf32>
    %mul3A_50 = arith.mulf %concatenate3A, %dot_general3A_24 : vector<1024x512xf32>
    %convert_element_type3A_51 = arith.truncf %mul3A_50 : vector<1024x512xf32> to vector<1024x512xbf16>
    %get3A_52 = arith.constant 0 : index
    %get3A_53 = arith.constant 0 : index
    %get3A_54 = vector.load %arg11[%get3A_52, %get3A_53] : memref<512x128xf32, #tpu.memory_space<vmem>>, vector<512x128xf32>
    %convert_element_type3A_55 = arith.truncf %get3A_54 : vector<512x128xf32> to vector<512x128xbf16>
    %dot_general3A_56 = arith.constant dense<0.000000e+00> : vector<1024x128xf32>
    %dot_general3A_57 = tpu.matmul %convert_element_type3A_51, %convert_element_type3A_55, %dot_general3A_56 {dimension_numbers = #tpu.dot_dimension_numbers<[1], [0], [0], [1], [0, 0, 1, 1], [], []>, transpose_lhs_hint = false} : vector<1024x512xbf16>, vector<512x128xbf16>, vector<1024x128xf32> -> vector<1024x128xf32>
    %get3A_58 = arith.constant 0 : index
    %get3A_59 = arith.constant 0 : index
    %get3A_60 = vector.load %arg2[%get3A_58, %get3A_59] : memref<1024x128xf32, #tpu.memory_space<vmem>>, vector<1024x128xf32>
    %mul3A_61 = arith.mulf %get3A_60, %dot_general3A_49 : vector<1024x128xf32>
    %reduce_sum3A = arith.constant dense<0.000000e+00> : vector<1024xf32>
    %reduce_sum3A_62 = vector.multi_reduction <add>, %mul3A_61, %reduce_sum3A [1] : vector<1024x128xf32> to vector<1024xf32>
    %broadcast_in_dim3A = vector.shape_cast %reduce_sum3A_62 : vector<1024xf32> to vector<1024x1xf32>
    %mul3A_63 = arith.constant 0.111803398 : f32
    %mul3A_64 = vector.broadcast %mul3A_63 : f32 to vector<1024x1xf32>
    %mul3A_65 = arith.mulf %broadcast_in_dim3A, %mul3A_64 : vector<1024x1xf32>
    %iota3A = tpu.iota {dimensions = array<i32: 0>} : vector<1024x1xi32>
    %mul3A_66 = arith.constant 1024 : i32
    %mul3A_67 = arith.muli %arg0, %mul3A_66 : i32
    %add3A_68 = vector.broadcast %mul3A_67 : i32 to vector<1024x1xi32>
    %add3A_69 = arith.addi %iota3A, %add3A_68 : vector<1024x1xi32>
    %lt3A = arith.constant 160000 : i32
    %lt3A_70 = vector.broadcast %lt3A : i32 to vector<1024x1xi32>
    %lt3A_71 = arith.cmpi slt, %add3A_69, %lt3A_70 : vector<1024x1xi32>
    %exp3A = math.exp %mul3A_65 : vector<1024x1xf32>
    %jit3A = arith.constant 0.000000e+00 : f32
    %broadcast_in_dim3A_72 = vector.broadcast %jit3A : f32 to vector<1024x1xf32>
    %select_n3A = arith.select %lt3A_71, %exp3A, %broadcast_in_dim3A_72 : vector<1024x1xi1>, vector<1024x1xf32>
    %mul3A_73 = vector.broadcast %select_n3A : vector<1024x1xf32> to vector<1024x128xf32>
    %mul3A_74 = arith.mulf %mul3A_73, %dot_general3A_57 : vector<1024x128xf32>
    %swap3A = arith.constant 0 : index
    %swap3A_75 = arith.constant 0 : index
    %swap3A_76 = vector.load %arg12[%swap3A, %swap3A_75] : memref<1024x128xf32, #tpu.memory_space<vmem>>, vector<1024x128xf32>
    tpu.vector_store %arg12[%swap3A, %swap3A_75], %mul3A_74 {strides = array<i32>} : memref<1024x128xf32, #tpu.memory_space<vmem>>, vector<1024x128xf32>,
    %iota3A_77 = tpu.iota {dimensions = array<i32: 1>} : vector<1024x128xi32>
    %get3A_78 = arith.constant 0 : index
    %get3A_79 = arith.constant 0 : index
    %get3A_80 = vector.load %arg5[%get3A_78, %get3A_79] : memref<1024x1xi32, #tpu.memory_space<vmem>>, vector<1024x1xi32>
    %eq3A = vector.broadcast %get3A_80 : vector<1024x1xi32> to vector<1024x128xi32>
    %eq3A_81 = arith.cmpi eq, %iota3A_77, %eq3A : vector<1024x128xi32>
    %jit3A_82 = arith.constant 0.000000e+00 : f32
    %broadcast_in_dim3A_83 = vector.shape_cast %select_n3A : vector<1024x1xf32> to vector<1024x1xf32>
    %broadcast_in_dim3A_84 = vector.broadcast %broadcast_in_dim3A_83 : vector<1024x1xf32> to vector<1024x128xf32>
    %broadcast_in_dim3A_85 = vector.broadcast %jit3A_82 : f32 to vector<1024x128xf32>
    %select_n3A_86 = arith.select %eq3A_81, %broadcast_in_dim3A_84, %broadcast_in_dim3A_85 : vector<1024x128xi1>, vector<1024x128xf32>
    %swap3A_87 = arith.constant 0 : index
    %swap3A_88 = arith.constant 0 : index
    %swap3A_89 = vector.load %arg13[%swap3A_87, %swap3A_88] : memref<1024x128xf32, #tpu.memory_space<vmem>>, vector<1024x128xf32>
    tpu.vector_store %arg13[%swap3A_87, %swap3A_88], %select_n3A_86 {strides = array<i32>} : memref<1024x128xf32, #tpu.memory_space<vmem>>, vector<1024x128xf32>,
    return
  }
  func.func @transform_0(%arg0: i32) -> (i32, i32) {
    %c0_i32 = arith.constant 0 : i32
    %c0_i32_0 = arith.constant 0 : i32
    return %arg0, %c0_i32 : i32, i32
  }
  func.func @transform_1(%arg0: i32) -> (i32, i32) {
    %c0_i32 = arith.constant 0 : i32
    %c0_i32_0 = arith.constant 0 : i32
    return %arg0, %c0_i32 : i32, i32
  }
  func.func @transform_2(%arg0: i32) -> (i32, i32) {
    %c0_i32 = arith.constant 0 : i32
    %c0_i32_0 = arith.constant 0 : i32
    return %arg0, %c0_i32 : i32, i32
  }
  func.func @transform_3(%arg0: i32) -> (i32, i32) {
    %c0_i32 = arith.constant 0 : i32
    %c0_i32_0 = arith.constant 0 : i32
    return %arg0, %c0_i32 : i32, i32
  }
  func.func @transform_4(%arg0: i32) -> (i32, i32) {
    %c0_i32 = arith.constant 0 : i32
    %c0_i32_0 = arith.constant 0 : i32
    return %arg0, %c0_i32 : i32, i32
  }
  func.func @transform_5(%arg0: i32) -> (i32, i32) {
    %c0_i32 = arith.constant 0 : i32
    %c0_i32_0 = arith.constant 0 : i32
    %c0_i32_1 = arith.constant 0 : i32
    return %c0_i32, %c0_i32_0 : i32, i32
  }
  func.func @transform_6(%arg0: i32) -> (i32, i32) {
    %c0_i32 = arith.constant 0 : i32
    %c0_i32_0 = arith.constant 0 : i32
    %c0_i32_1 = arith.constant 0 : i32
    return %c0_i32, %c0_i32_0 : i32, i32
  }
  func.func @transform_7(%arg0: i32) -> (i32, i32) {
    %c0_i32 = arith.constant 0 : i32
    %c0_i32_0 = arith.constant 0 : i32
    %c0_i32_1 = arith.constant 0 : i32
    return %c0_i32, %c0_i32_0 : i32, i32
  }
  func.func @transform_8(%arg0: i32) -> (i32, i32) {
    %c0_i32 = arith.constant 0 : i32
    %c0_i32_0 = arith.constant 0 : i32
    %c0_i32_1 = arith.constant 0 : i32
    return %c0_i32, %c0_i32_0 : i32, i32
  }
  func.func @transform_9(%arg0: i32) -> (i32, i32) {
    %c0_i32 = arith.constant 0 : i32
    %c0_i32_0 = arith.constant 0 : i32
    %c0_i32_1 = arith.constant 0 : i32
    return %c0_i32, %c0_i32_0 : i32, i32
  }
  func.func @transform_10(%arg0: i32) -> (i32, i32) {
    %c0_i32 = arith.constant 0 : i32
    %c0_i32_0 = arith.constant 0 : i32
    %c0_i32_1 = arith.constant 0 : i32
    return %c0_i32, %c0_i32_0 : i32, i32
  }
  func.func @transform_11(%arg0: i32) -> (i32, i32) {
    %c0_i32 = arith.constant 0 : i32
    %c0_i32_0 = arith.constant 0 : i32
    return %arg0, %c0_i32 : i32, i32
  }
  func.func @transform_12(%arg0: i32) -> (i32, i32) {
    %c0_i32 = arith.constant 0 : i32
    %c0_i32_0 = arith.constant 0 : i32
    return %arg0, %c0_i32 : i32, i32
  }
}

module attributes {stable_mosaic.version = 14 : i64} {
  func.func @_fin_body(%arg0: i32, %arg1: memref<2x632x128xf32, #tpu.memory_space<vmem>>, %arg2: memref<2x632x1xf32, #tpu.memory_space<vmem>>, %arg3: memref<632x128xf32, #tpu.memory_space<vmem>>) attributes {dimension_semantics = [#tpu.dimension_semantics<arbitrary>], iteration_bounds = array<i64: 16>, scalar_prefetch = 0 : i64, scratch_operands = 0 : i64, tpu.core_type = #tpu.core_type<tc>, window_params = [{transform_indices = @transform_0, window_bounds = array<i64: 2, 632, 128>}, {transform_indices = @transform_1, window_bounds = array<i64: 2, 632, 1>}, {transform_indices = @transform_2, window_bounds = array<i64: 632, 128>}]} {
    %get3A = arith.constant 0 : index
    %get3A_0 = arith.constant 0 : index
    %get3A_1 = arith.constant 0 : index
    %get3A_2 = vector.load %arg1[%get3A, %get3A_0, %get3A_1] : memref<2x632x128xf32, #tpu.memory_space<vmem>>, vector<1x632x128xf32>
    %get3A_3 = vector.shape_cast %get3A_2 : vector<1x632x128xf32> to vector<632x128xf32>
    %get3A_4 = arith.constant 1 : index
    %get3A_5 = arith.constant 0 : index
    %get3A_6 = arith.constant 0 : index
    %get3A_7 = vector.load %arg1[%get3A_4, %get3A_5, %get3A_6] : memref<2x632x128xf32, #tpu.memory_space<vmem>>, vector<1x632x128xf32>
    %get3A_8 = vector.shape_cast %get3A_7 : vector<1x632x128xf32> to vector<632x128xf32>
    %add3A = arith.addf %get3A_3, %get3A_8 : vector<632x128xf32>
    %get3A_9 = arith.constant 0 : index
    %get3A_10 = arith.constant 0 : index
    %get3A_11 = arith.constant 0 : index
    %get3A_12 = vector.load %arg2[%get3A_9, %get3A_10, %get3A_11] : memref<2x632x1xf32, #tpu.memory_space<vmem>>, vector<1x632x1xf32>
    %get3A_13 = vector.shape_cast %get3A_12 : vector<1x632x1xf32> to vector<632x1xf32>
    %get3A_14 = arith.constant 1 : index
    %get3A_15 = arith.constant 0 : index
    %get3A_16 = arith.constant 0 : index
    %get3A_17 = vector.load %arg2[%get3A_14, %get3A_15, %get3A_16] : memref<2x632x1xf32, #tpu.memory_space<vmem>>, vector<1x632x1xf32>
    %get3A_18 = vector.shape_cast %get3A_17 : vector<1x632x1xf32> to vector<632x1xf32>
    %add3A_19 = arith.addf %get3A_13, %get3A_18 : vector<632x1xf32>
    %gt3A = arith.constant 0.000000e+00 : f32
    %gt3A_20 = vector.broadcast %gt3A : f32 to vector<632x1xf32>
    %gt3A_21 = arith.cmpf ogt, %add3A_19, %gt3A_20 : vector<632x1xf32>
    %jit3A = arith.constant 1.000000e+00 : f32
    %broadcast_in_dim3A = vector.broadcast %jit3A : f32 to vector<632x1xf32>
    %select_n3A = arith.select %gt3A_21, %add3A_19, %broadcast_in_dim3A : vector<632x1xi1>, vector<632x1xf32>
    %gt3A_22 = arith.constant 0.000000e+00 : f32
    %gt3A_23 = vector.broadcast %gt3A_22 : f32 to vector<632x1xf32>
    %gt3A_24 = arith.cmpf ogt, %add3A_19, %gt3A_23 : vector<632x1xf32>
    %div3A = vector.broadcast %select_n3A : vector<632x1xf32> to vector<632x128xf32>
    %div3A_25 = arith.divf %add3A, %div3A : vector<632x128xf32>
    %jit3A_26 = arith.constant 0.000000e+00 : f32
    %broadcast_in_dim3A_27 = vector.shape_cast %gt3A_24 : vector<632x1xi1> to vector<632x1xi1>
    %broadcast_in_dim3A_28 = vector.broadcast %broadcast_in_dim3A_27 : vector<632x1xi1> to vector<632x128xi1>
    %broadcast_in_dim3A_29 = vector.broadcast %jit3A_26 : f32 to vector<632x128xf32>
    %select_n3A_30 = arith.select %broadcast_in_dim3A_28, %div3A_25, %broadcast_in_dim3A_29 : vector<632x128xi1>, vector<632x128xf32>
    %swap3A = arith.constant 0 : index
    %swap3A_31 = arith.constant 0 : index
    %swap3A_32 = vector.load %arg3[%swap3A, %swap3A_31] : memref<632x128xf32, #tpu.memory_space<vmem>>, vector<632x128xf32>
    tpu.vector_store %arg3[%swap3A, %swap3A_31], %select_n3A_30 {strides = array<i32>} : memref<632x128xf32, #tpu.memory_space<vmem>>, vector<632x128xf32>,
    return
  }
  func.func @transform_0(%arg0: i32) -> (i32, i32, i32) {
    %c0_i32 = arith.constant 0 : i32
    %c0_i32_0 = arith.constant 0 : i32
    %c0_i32_1 = arith.constant 0 : i32
    return %c0_i32, %arg0, %c0_i32_0 : i32, i32, i32
  }
  func.func @transform_1(%arg0: i32) -> (i32, i32, i32) {
    %c0_i32 = arith.constant 0 : i32
    %c0_i32_0 = arith.constant 0 : i32
    %c0_i32_1 = arith.constant 0 : i32
    return %c0_i32, %arg0, %c0_i32_0 : i32, i32, i32
  }
  func.func @transform_2(%arg0: i32) -> (i32, i32) {
    %c0_i32 = arith.constant 0 : i32
    %c0_i32_0 = arith.constant 0 : i32
    return %arg0, %c0_i32 : i32, i32
  }
}

</mosaic_0001>

<sc_bundles>
// kernel: kernel.10.cloned.1.call-start
scs
__scs_entry_jumppad:
0x0: {  	(pc) =	sbr.rel $0x88, $3  }
0x1: {  	(tag) =	ssettag $0x0;
	lr =	simm.s32 $0x1  }
0x2: {  	[smem:$0x3F93] =	sst lr;
	_ =	strace $0xD0000000  }
0x3: {  	_ = 	snop  }
0x4: {  	_ = 	snop  }
0x5: {  	_ = 	snop  }
0x6: {  	_ = 	snop  }
0x7: {  	_ = 	snop  }
__scs_overlays_trampoline_lowered:
0x8: {  	[smem:$0x3FA2] =	sst s0  }
0x9: {  	[smem:$0x3FA3] =	sst s1  }
0xa: {  	[smem:$0x3FA4] =	sst s2  }
0xb: {  	[smem:$0x3FA5] =	sst s3  }
0xc: {  	[smem:$0x3FA6] =	sst s4  }
0xd: {  	[smem:$0x3FA7] =	sst s5  }
0xe: {  	[smem:$0x3FA8] =	sst s6  }
0xf: {  	[smem:$0x3FA9] =	sst s7  }
0x10: {  	[smem:$0x3FAA] =	sst s8  }
0x11: {  	[smem:$0x3FAB] =	sst s9;
	s0 =	simm.s32 @!p0 $0x0  }
0x12: {  	s1 =	sld [smem:$0x3F91];
	s0 =	simm.s32 @p0 $0x1  }
0x13: {  	[smem:$0x3FAC] =	sst s0;
	s0 =	simm.s32 @!p1 $0x0  }
0x14: {  	s2 =	sld [smem:$0x3F90];
	s0 =	simm.s32 @p1 $0x1  }
0x15: {  	[smem:$0x3FAD] =	sst s0;
	s0 =	simm.s32 @!p2 $0x0  }
0x16: {  	s3 =	sld [smem:$0x3FDB];
	s0 =	simm.s32 @p2 $0x1  }
0x17: {  	s4 =	simm.s32 $0x1BF5;
	[smem:$0x3FAF] =	sst s0  }
0x18: {  	s0 =	sld [smem:$0x3F92];
	_ =	swait.ge [sflag:s4], $0x0  }
0x19: {  	s7 =	sld [smem:$0x3F93]  }
0x1a: {  	s8 =	sadd.s32 $0xFFFFE003, lr  }
0x1b: {  	s9 =	sadd.s32 $0xFFFFFEF7, lr;
	s5 =	simm.s32 $0xFFFFFFFF;
	p2 =	slt.u32 s8, $0xFFFFF086  }
0x1c: {  	p1 =	slt.u32 s9, $0xF7A;
	s5 =	simm.s32 @!p2 $0x0  }
0x1d: {  	s5 =	simm.s32 @p1 $0x1;
	p0 =	seq.s32 s7, s2  }
0x1e: {  	s7 =	smul.u32 @!p0 $0xF7A, s2;
	p2 =	seq.s32 @!p0 s5, $0x0  }
0x1f: {  	s9 =	smul.u32 $0xF7A, s1;
	s8 =	simm.s32 @!p0 $0x1BF5;
	p2 =	por !p2, p0  }
0x20: {  	[sflag:s8] =	ssyncset.s32 @!p0 $0xFFFFF086;
	s6 =	sadd.s32 @!p0 s3, s7;
	s7 =	simm.s32 @!p0 $0x108  }
0x21: {  	s3 =	sadd.s32 s3, s9;
	s6 =	sadd.s32 @!p0 $0x88, s6;
	s7 =	simm.s32 @p2 $0x1082  }
0x22: {  	[simem:s7], [sflag:s8] =	dma.local @!p0 [hbm:s6], $0xF7A  }
0x23: {  	s9 =	sor.u32 $0xD0000000, s2;
	s6 =	simm.s32 $0x108;
	_ =	swait.ge @!p0 [sflag:s8], $0x0  }
0x24: {  	s3 =	sadd.s32 $0x88, s3;
	s6 =	simm.s32 @!p1 $0x1082;
	[sflag:s4] =	ssyncset.s32 $0xFFFFF086  }
0x25: {  	[simem:s6], [sflag:s4] =	dma.local [hbm:s3], $0xF7A  }
0x26: {  	[smem:$0x3F93] =	sst s1;
	(tag) =	ssettag s2;
	_ =	strace s9  }
0x27: {  	s1 =	sld [smem:$0x3FA3]  }
0x28: {  	s2 =	sld [smem:$0x3FA4]  }
0x29: {  	s4 =	sld [smem:$0x3FA6]  }
0x2a: {  	p0 =	seq.s32 s5, $0x0;
	s5 =	sld [smem:$0x3FA7]  }
0x2b: {  	s6 =	sld [smem:$0x3FA8]  }
0x2c: {  	s7 =	sld [smem:$0x3FA9]  }
0x2d: {  	s3 =	simm.s32 $0x108;
	s8 =	sld [smem:$0x3FAA]  }
0x2e: {  	s3 =	simm.s32 @!p0 $0x1082;
	s9 =	sld [smem:$0x3FAB]  }
0x2f: {  	lr =	sadd.s32 s0, s3;
	s0 =	sld [smem:$0x3FA2]  }
0x30: {  	s3 =	sld [smem:$0x3FA5]  }
0x31: {  	[smem:$0x3FAE] =	sst s10  }
0x32: {  	s10 =	sld [smem:$0x3FAC];
	_ =	sdelay $0x3  }
0x33: {  	p0 =	seq.s32 s10, $0x1;
	s10 =	sld [smem:$0x3FAE];
	_ =	sdelay $0x3  }
0x34: {  	[smem:$0x3FAE] =	sst s10  }
0x35: {  	s10 =	sld [smem:$0x3FAD];
	_ =	sdelay $0x3  }
0x36: {  	p1 =	seq.s32 s10, $0x1;
	s10 =	sld [smem:$0x3FAE];
	_ =	sdelay $0x3  }
0x37: {  	[smem:$0x3FAE] =	sst s10  }
0x38: {  	s10 =	sld [smem:$0x3FAF]  }
0x39: {  	_ = 	snop;
	(pc) =	sbr.ind lr, $3  }
0x3a: {  	_ = 	snop  }
0x3b: {  	_ = 	snop  }
0x3c: {  	p2 =	seq.s32 s10, $0x1;
	s10 =	sld [smem:$0x3FAE]  }
0x3d: {  	_ =	shalt  }
0x3e: {  	_ =	shalt  }
0x3f: {  	_ =	shalt  }
0x40: {  	_ =	shalt  }
0x41: {  	_ =	shalt  }
0x42: {  	_ =	shalt  }
0x43: {  	_ =	shalt  }
0x44: {  	_ =	shalt  }
0x45: {  	_ =	shalt  }
0x46: {  	_ =	shalt  }
0x47: {  	_ =	shalt  }
0x48: {  	_ =	shalt  }
0x49: {  	_ =	shalt  }
0x4a: {  	_ =	shalt  }
0x4b: {  	_ =	shalt  }
0x4c: {  	_ =	shalt  }
0x4d: {  	_ =	shalt  }
0x4e: {  	_ =	shalt  }
0x4f: {  	_ =	shalt  }
0x50: {  	_ =	shalt  }
0x51: {  	_ =	shalt  }
0x52: {  	_ =	shalt  }
0x53: {  	_ =	shalt  }
0x54: {  	_ =	shalt  }
0x55: {  	_ =	shalt  }
0x56: {  	_ =	shalt  }
0x57: {  	_ =	shalt  }
0x58: {  	_ =	shalt  }
0x59: {  	_ =	shalt  }
0x5a: {  	_ =	shalt  }
0x5b: {  	_ =	shalt  }
0x5c: {  	_ =	shalt  }
0x5d: {  	_ =	shalt  }
0x5e: {  	_ =	shalt  }
0x5f: {  	_ =	shalt  }
0x60: {  	_ =	shalt  }
0x61: {  	_ =	shalt  }
0x62: {  	_ =	shalt  }
0x63: {  	_ =	shalt  }
0x64: {  	_ =	shalt  }
0x65: {  	_ =	shalt  }
0x66: {  	_ =	shalt  }
0x67: {  	_ =	shalt  }
0x68: {  	_ =	shalt  }
0x69: {  	_ =	shalt  }
0x6a: {  	_ =	shalt  }
0x6b: {  	_ =	shalt  }
0x6c: {  	_ =	shalt  }
0x6d: {  	_ =	shalt  }
0x6e: {  	_ =	shalt  }
0x6f: {  	_ =	shalt  }
0x70: {  	_ =	shalt  }
0x71: {  	_ =	shalt  }
0x72: {  	_ =	shalt  }
0x73: {  	_ =	shalt  }
0x74: {  	_ =	shalt  }
0x75: {  	_ =	shalt  }
0x76: {  	_ =	shalt  }
0x77: {  	_ =	shalt  }
0x78: {  	_ =	shalt  }
0x79: {  	_ =	shalt  }
0x7a: {  	_ =	shalt  }
0x7b: {  	_ =	shalt  }
0x7c: {  	_ =	shalt  }
0x7d: {  	_ =	shalt  }
0x7e: {  	_ =	shalt  }
0x7f: {  	_ =	shalt  }
0x80: {  	_ =	shalt  }
0x81: {  	_ =	shalt  }
0x82: {  	_ =	shalt  }
0x83: {  	_ =	shalt  }
0x84: {  	_ =	shalt  }
0x85: {  	_ =	shalt  }
0x86: {  	_ =	shalt  }
0x87: {  	_ =	shalt  }
.Lfunc_end0:
.L_simem_size_0:
called_computation.1_lowered:
.L_overlay_start_0:
0x88: {  	s2 =	sld [smem:$0x3FD9]  }
0x89: {  	s3 =	sld [smem:$0x3FFE];
	_ =	sdelay $0x1  }
0x8a: {  	s1 =	srdreg.scid  }
0x8b: {  	s0 =	sand.u32 $0x1, s1  }
0x8c: {  	s17 =	sshll.u32 s0, $0xA;
	s2 =	sadd.s32 s3, s2  }
0x8d: {  	s2 =	sadd.s32 s2, s17  }
0x8e: {  	[smem:$0x3FBA] =	sst s2  }
0x8f: {  	_ = 	snop  }
0x90: {  	s2 =	sld [smem:$0x3FD0];
	(tm) =	ssettm $0x1  }
0x91: {  	s18 =	sld [smem:$0x3FFB];
	_ =	sdelay $0x3  }
0x92: {  	_ =	strace s18  }
0x93: {  	s3 =	sld [smem:$0x3FFC];
	_ =	sdelay $0x3  }
0x94: {  	_ =	strace s3  }
0x95: {  	s3 =	sld [smem:$0x3FFD];
	_ =	sdelay $0x3  }
0x96: {  	_ =	strace s3  }
0x97: {  	_ =	strace $0x8FFFFFFF  }
0x98: {  	s19 =	sld [smem:$0x3FDB];
	_ =	sdelay $0x1  }
0x99: {  	s4 =	simm.s32 $_scs_section_size  }
0x9a: {  	s5 =	simm.s32 $_size__tile_overlayer_lowered;
	s6 =	simm.s32 $_tile_overlayer_lowered  }
0x9b: {  	s22 =	simm.s32 $0x1BFF;
	s21 =	sshll.u32 s6, $0x1;
	s3 =	sadd.s32 s4, s19  }
0x9c: {  	s7 =	simm.s32 $0x0;
	s20 =	sshll.u32 s5, $0x1;
	s5 =	sadd.s32 s21, s3  }
0x9d: {  	[timem:s7], [sflag:s22] =	dma.local [hbm:s5], s20  }
0x9e: {  	_ =	swait.ge [sflag:s22], s20  }
0x9f: {  	s4 =	ssub.s32 $0x0, s20;
	[sflag:s22] =	ssyncset.done $0x0  }
0xa0: {  	[sflag:s22] =	ssyncadd.s32 s4;
	_ =	sdelay $0x1  }
0xa1: {  	s23 =	simm.s32 $0x1B8B  }
0xa2: {  	_ =	swait.ge [sflag:s23], $0x1  }
0xa3: {  	[sflag:s23] =	ssyncset.done $0x0  }
0xa4: {  	s25 =	simm.s32 $0x1B8E;
	s24 =	sld [smem:$0x3FFE];
	[sflag:s23] =	ssyncadd.s32 $0xFFFFFFFF  }
0xa5: {  	s26 =	simm.s32 $execute0_lowered;
	[smem:$0x3FD2] =	sst s25  }
0xa6: {  	s5 =	sshll.u32 s26, $0x1;
	_ =	strace $0x80000049;
	[dreg:$0x1] =	wrdreg $0xFFFFFFFF  }
0xa7: {  	s28 =	simm.s32 $_size_execute0_lowered;
	s3 =	sadd.s32 s3, s5;
	[dreg:$0x0] =	wrdreg $0x0  }
0xa8: {  	s5 =	sshll.u32 s28, $0x1;
	[dreg:$0x2] =	wrdreg s3  }
0xa9: {  	[dreg:$0x3] =	wrdreg s5  }
0xaa: {  	[dreg:$0x4] =	wrdreg $0xC0  }
0xab: {  	_ =	task [dreg:s7], $0x5FFFF  }
0xac: {  	[dreg:$0x1] =	wrdreg $0xFFFFFFFF  }
0xad: {  	[dreg:$0x0] =	wrdreg $0x60  }
0xae: {  	[dreg:$0x2] =	wrdreg s24  }
0xaf: {  	[dreg:$0x3] =	wrdreg s2  }
0xb0: {  	[dreg:$0x4] =	wrdreg $0xA8000  }
0xb1: {  	[dreg:$0x5] =	wrdreg $0x1E4000  }
0xb2: {  	[dreg:$0x6] =	wrdreg $0x9  }
0xb3: {  	_ =	task.clear_ibuf [dreg:s7], $0x7FFFF;
	_ =	strace $0x90000049  }
0xb4: {  	s29 =	simm.s32 $0x9;
	_ =	strace $0x8000004B  }
0xb5: {  	_ =	swait.ge [sflag:s29], $0x1  }
0xb6: {  	[sflag:s29] =	ssyncadd.s32 $0xFFFFFFFF  }
0xb7: {  	_ =	strace $0x9000004B  }
0xb8: {  	_ =	sfence  }
0xb9: {  	s30 =	sld [smem:$0x0];
	_ =	sdelay $0x2  }
0xba: {  	s31 =	sshll.u32 s1, $0xD;
	s1 =	sshrl.u32 s1, $0x2  }
0xbb: {  	s3 =	sand.u32 $0x4000, s31;
	s1 =	sadd.s32 s1, s30  }
0xbc: {  	s0 =	sor.u32 s3, s0;
	s1 =	sshll.u32 s1, $0x11  }
0xbd: {  	s0 =	sor.u32 s1, s0  }
0xbe: {  	s0 =	sadd.s32 $0x8F2B, s0  }
0xbf: {  	[sflag:s0] =	ssyncadd.remote.s32 $0x1  }
0xc0: {  	_ =	sfence.sel $0xFFFF  }
0xc1: {  	[dreg:$0x0] =	wrdreg $0xFFFFFFFF;
	(pc) =	sbr.abs _section_cstart, $3  }
0xc2: {  	[dreg:$0x1] =	wrdreg $0xFFFFFFFF  }
0xc3: {  	_ =	task.clear_ibuf [dreg:s7], $0x2FFFF;
	_ =	strace $0x9FFFFFFF  }
0xc4: {  	(tm) =	ssettm $0x7FFFFFFF  }
0xc5: {  	_ =	shalt  }
tec
execute0_lowered:
.L_overlay_start_1:
0x0: {  	(tag) =	ssettag $0x1  }
0x1: {  	s5 =	rddreg [dreg:$0x0]  }
0x2: {  	s10 =	rddreg [dreg:$0x1]  }
0x3: {  	s2 =	rddreg [dreg:$0x2]  }
0x4: {  	s3 =	rddreg [dreg:$0x3]  }
0x5: {  	s0 =	rddreg [dreg:$0x4];
	s1 =	stileid.u32  }
0x6: {  	s4 =	srdreg.scid;
	s20 =	simm.s32 $0x6800;
	s21 =	simm.s32 $0x80  }
0x7: {  	s22 =	simm.s32 $0x0;
	s6 =	smul.u32 $0x28000, s1;
	s11 =	sand.u32 $0x1, s4  }
0x8: {  	s7 =	sshll.u32 s1, $0x1;
	s4 =	simm.s32 $0x0;
	s8 =	smul.u32 $0x13C00, s1  }
0x9: {  	s14 =	sshll.u32 s1, $0x7;
	s15 =	smul.u32 $0x4F000, s1;
	s29 =	sshll.u32 s1, $0xA  }
0xa: {  	s31 =	sshll.u32 s1, $0x6;
	s7 =	sor.u32 s11, s7;
	[smem:$0x7FF] =	sst s4  }
0xb: {  	s12 =	smul.u32 $0x13C000, s11;
	s25 =	ssub.s32 $0x2, s11;
	s16 =	sadd.s32 s14, s5  }
0xc: {  	s19 =	sadd.s32 s29, s3;
	s30 =	smul.u32 $0x14000, s11;
	s11 =	sshll.u32 s11, $0xB  }
0xd: {  	s10 =	sadd.s32 s10, s14;
	s14 =	simm.s32 $0x1;
	s7 =	smul.u32 $0x280, s7  }
0xe: {  	_ =	strace $0x8000004A;
	s9 =	sshrl.u32 s8, $0x3;
	s13 =	sadd.s32 s6, s5  }
0xf: {  	s26 =	sshrl.u32 s25, $0x1;
	s28 =	sshrl.u32 s15, $0x2;
	s10 =	sadd.s32 s11, s10  }
0x10: {  	s15 =	simm.s32 $0x1400;
	s24 =	sadd.s32 s9, s5;
	s8 =	sadd.s32 s8, s12  }
0x11: {  	s12 =	ssub.s32 s25, s26;
	s18 =	sadd.s32 s28, s2;
	s13 =	sadd.s32 s30, s13  }
0x12: {  	s23 =	sadd.s32 s7, s5;
	s8 =	sshrl.u32 s8, $0x3;
	s7 =	sadd.s32 $0xDE00, s24  }
0x13: {  	s11 =	smax.u32 s12, $0x1;
	s12 =	sadd.s32 $0x1183E00, s13;
	s13 =	sadd.s32 $0xF03E00, s13  }
0x14: {  	s17 =	sadd.s32 s8, s5;
	s5 =	sadd.s32 $0x8E00, s23;
	s6 =	sadd.s32 $0x3E00, s23  }
0x15: {  	s8 =	sadd.s32 $0x35600, s16;
	s16 =	sor.u32 $0x1C01, s31;
	s9 =	sadd.s32 $0x35E00, s17  }
0x16: {  	s17 =	sshrl.u32 s18, $0x3;
	s18 =	sshrl.u32 s19, $0x3;
	s19 =	simm.s32 $0x2800  }
.LBB2_1:
0x17: {  	[tilespmem:s4], [sflag:$0x1] =	stream.linear.gather [hbm4b:s5+s4], $0x1400, $0x38;
	[tilespmem:$0x1E800] =	vst v63  }
0x18: {  	_ =	swait.ge [sflag:s14], $0x1400  }
0x19: {  	[sflag:s14] =	ssyncset.done $0x0  }
0x1a: {  	[sflag:s14] =	ssyncadd.s32 $0xFFFFEC00  }
0x1b: {  	[tilespmem:s15], [sflag:$0x1] =	stream.linear.gather [hbm4b:s6+s4], $0x1400, $0x38;
	[tilespmem:$0x1E800] =	vst v63  }
0x1c: {  	_ =	swait.ge [sflag:s14], $0x1400  }
0x1d: {  	[sflag:s14] =	ssyncset.done $0x0  }
0x1e: {  	[sflag:s14] =	ssyncadd.s32 $0xFFFFEC00  }
0x1f: {  	[spmem:s17], [sflag:s16] =	dma.local [hbm:s7], $0x2780  }
0x20: {  	_ =	swait.ge [sflag:s14], $0x2780  }
0x21: {  	[sflag:s14] =	ssyncset.done $0x0  }
0x22: {  	[sflag:s14] =	ssyncadd.s32 $0xFFFFD880  }
0x23: {  	[spmem:s18], [sflag:s16] =	dma.local [hbm:s8], $0x80  }
0x24: {  	_ =	swait.ge [sflag:s14], $0x80  }
0x25: {  	[sflag:s14] =	ssyncset.done $0x0  }
0x26: {  	[sflag:s14] =	ssyncadd.s32 $0xFFFFFF80  }
0x27: {  	[bflag:$0x0] =	sbarrier.arrive $0xFFFF  }
0x28: {  	[tilespmem:s19], [sflag:$0x1] =	stream.linear.gather [hbm4b:s13+s4], $0x4000, $0x38;
	[tilespmem:$0x1E800] =	vst v63  }
0x29: {  	_ =	swait.ge [sflag:s14], $0x4000  }
0x2a: {  	[sflag:s14] =	ssyncset.done $0x0  }
0x2b: {  	[sflag:s14] =	ssyncadd.s32 $0xFFFFC000  }
0x2c: {  	[tilespmem:s20], [sflag:$0x1] =	stream.linear.gather [hbm4b:s12+s4], $0x4000, $0x38;
	[tilespmem:$0x1E800] =	vst v63  }
0x2d: {  	_ =	swait.ge [sflag:s14], $0x4000  }
0x2e: {  	[sflag:s14] =	ssyncset.done $0x0  }
0x2f: {  	s23 =	simm.s32 $0x0;
	[sflag:s14] =	ssyncadd.s32 $0xFFFFC000  }
0x30: {  	[spmem:s2] =	stream.indirect.scatter.add.f32 [tilespmem:s19], [sflag:$0x1], $0x80, s23, s21, $0xb8;
	[tilespmem:$0x1E800] =	vst v63  }
0x31: {  	_ =	swait.ge [sflag:s14], $0x4000  }
0x32: {  	[sflag:s14] =	ssyncset.done $0x0  }
0x33: {  	s31 =	simm.s32 $0x1400;
	[sflag:s14] =	ssyncadd.s32 $0xFFFFC000  }
0x34: {  	[spmem:s3] =	stream.indirect.scatter.add.f32 [tilespmem:s20], [sflag:$0x1], $0x80, s31, s21, $0xb8;
	[tilespmem:$0x1E800] =	vst v63  }
0x35: {  	s24 =	smov.u32 s12;
	_ =	swait.ge [sflag:s14], $0x4000  }
0x36: {  	s25 =	smov.u32 s13;
	s23 =	simm.s32 $0x200;
	[sflag:s14] =	ssyncset.done $0x0  }
.LBB2_2:
0x37: {  	[sflag:s14] =	ssyncadd.s32 $0xFFFFC000  }
0x38: {  	s24 =	sadd.s32 $0x800, s24;
	s25 =	sadd.s32 $0x800, s25;
	s26 =	smov.u32 s23  }
0x39: {  	[tilespmem:s19], [sflag:$0x1] =	stream.linear.gather [hbm4b:s25+s4], $0x4000, $0x38;
	[tilespmem:$0x1E800] =	vst v63  }
0x3a: {  	p0 =	sne.s32 s23, $0x4E00;
	s23 =	sadd.s32 $0x200, s23;
	_ =	swait.ge [sflag:s14], $0x4000  }
0x3b: {  	[sflag:s14] =	ssyncset.done $0x0  }
0x3c: {  	[sflag:s14] =	ssyncadd.s32 $0xFFFFC000  }
0x3d: {  	[tilespmem:s20], [sflag:$0x1] =	stream.linear.gather [hbm4b:s24+s4], $0x4000, $0x38;
	[tilespmem:$0x1E800] =	vst v63  }
0x3e: {  	_ =	swait.ge [sflag:s14], $0x4000  }
0x3f: {  	[sflag:s14] =	ssyncset.done $0x0  }
0x40: {  	s26 =	sshra.s32 s26, $0x2;
	[sflag:s14] =	ssyncadd.s32 $0xFFFFC000  }
0x41: {  	[spmem:s2] =	stream.indirect.scatter.add.f32 [tilespmem:s19], [sflag:$0x1], $0x80, s26, s21, $0xb8;
	[tilespmem:$0x1E800] =	vst v63  }
0x42: {  	_ =	swait.ge [sflag:s14], $0x4000  }
.Ltmp0:
0x43: {  	[sflag:s14] =	ssyncset.done $0x0;
	(pc) =	sbr.rel @p0 .LBB2_2-.Ltmp0, $4  }
0x44: {  	s26 =	sadd.s32 $0x1400, s26;
	[sflag:s14] =	ssyncadd.s32 $0xFFFFC000  }
0x45: {  	[spmem:s3] =	stream.indirect.scatter.add.f32 [tilespmem:s20], [sflag:$0x1], $0x80, s26, s21, $0xb8;
	[tilespmem:$0x1E800] =	vst v63  }
0x46: {  	_ =	swait.ge [sflag:s14], $0x4000  }
0x47: {  	[sflag:s14] =	ssyncset.done $0x0  }
0x48: {  	[sflag:s14] =	ssyncadd.s32 $0xFFFFC000  }
0x49: {  	[bflag:$0x0] =	sbarrier.arrive $0xFFFF  }
0x4a: {  	[hbm:s9], [sflag:s16] =	dma.local [spmem:s17], $0x2780  }
0x4b: {  	s22 =	sadd.s32 $0x1, s22;
	_ =	swait.ge [sflag:s14], $0x2780  }
0x4c: {  	p0 =	sne.s32 s22, s11;
	[sflag:s14] =	ssyncset.done $0x0  }
.Ltmp1:
0x4d: {  	[sflag:s14] =	ssyncadd.s32 $0xFFFFD880;
	(pc) =	sbr.rel @p0 .LBB2_1-.Ltmp1, $4  }
0x4e: {  	[hbm:s10], [sflag:s16] =	dma.local [spmem:s18], $0x80  }
0x4f: {  	_ =	swait.ge [sflag:s14], $0x80  }
0x50: {  	[sflag:s14] =	ssyncset.done $0x0  }
0x51: {  	[sflag:s14] =	ssyncadd.s32 $0xFFFFFF80  }
0x52: {  	_ =	sfence.sel $0x180000  }
0x53: {  	[bflag:$0x0] =	sbarrier.arrive $0xFFFF  }
0x54: {  	p0 =	sne.s32 s1, $0x0;
	_ =	strace $0x9000004A  }
0x55: {  	s0 =	sadd.s32 @!p0 $0x100000, s0;
	[bflag:$0x2] =	sbarrier.arrive $0xFFFF  }
0x56: {  	[sflag:s0] =	ssyncadd.tile.s32 @!p0 $0x1;
	_ =	shalt  }
.Lfunc_end2:
_tile_overlayer_lowered:
.L_overlay_start_2:
0x57: {  	(tag) =	ssettag $0x2  }
0x58: {  	s0 =	rddreg [dreg:$0x0];
	s2 =	stileid.u32  }
0x59: {  	s1 =	rddreg [dreg:$0x1];
	p0 =	sne.s32 s2, $0x0  }
0x5a: {  	s3 =	rddreg [dreg:$0x2];
	[bflag:$0x3] =	sbarrier.arrive $0xFFFF;
	s2 =	simm.s32 @!p0 $0x1C01  }
0x5b: {  	[timem:s3], [sflag:s2] =	dma.local @!p0 [hbm:s0], s1  }
0x5c: {  	s0 =	simm.s32 @!p0 $0x1  }
0x5d: {  	_ =	swait.ge @!p0 [sflag:s0], s1  }
0x5e: {  	s1 =	ssub.s32 @!p0 $0x0, s1;
	[sflag:s0] =	ssyncset.done @!p0 $0x0  }
0x5f: {  	[sflag:s0] =	ssyncadd.s32 @!p0 s1  }
0x60: {  	[bflag:$0x3] =	sbarrier.arrive $0xFFFF  }
0x61: {  	_ =	shalt  }

// kernel: kernel.7.cloned.1.call-start
scs
__scs_entry_jumppad:
0x0: {  	(pc) =	sbr.rel $0x88, $3  }
0x1: {  	(tag) =	ssettag $0x0;
	lr =	simm.s32 $0x1  }
0x2: {  	[smem:$0x3F93] =	sst lr;
	_ =	strace $0xD0000000  }
0x3: {  	_ = 	snop  }
0x4: {  	_ = 	snop  }
0x5: {  	_ = 	snop  }
0x6: {  	_ = 	snop  }
0x7: {  	_ = 	snop  }
__scs_overlays_trampoline_lowered:
0x8: {  	[smem:$0x3FA2] =	sst s0  }
0x9: {  	[smem:$0x3FA3] =	sst s1  }
0xa: {  	[smem:$0x3FA4] =	sst s2  }
0xb: {  	[smem:$0x3FA5] =	sst s3  }
0xc: {  	[smem:$0x3FA6] =	sst s4  }
0xd: {  	[smem:$0x3FA7] =	sst s5  }
0xe: {  	[smem:$0x3FA8] =	sst s6  }
0xf: {  	[smem:$0x3FA9] =	sst s7  }
0x10: {  	[smem:$0x3FAA] =	sst s8  }
0x11: {  	[smem:$0x3FAB] =	sst s9;
	s0 =	simm.s32 @!p0 $0x0  }
0x12: {  	s1 =	sld [smem:$0x3F91];
	s0 =	simm.s32 @p0 $0x1  }
0x13: {  	[smem:$0x3FAC] =	sst s0;
	s0 =	simm.s32 @!p1 $0x0  }
0x14: {  	s2 =	sld [smem:$0x3F90];
	s0 =	simm.s32 @p1 $0x1  }
0x15: {  	[smem:$0x3FAD] =	sst s0;
	s0 =	simm.s32 @!p2 $0x0  }
0x16: {  	s3 =	sld [smem:$0x3FDB];
	s0 =	simm.s32 @p2 $0x1  }
0x17: {  	s4 =	simm.s32 $0x1BF5;
	[smem:$0x3FAF] =	sst s0  }
0x18: {  	s0 =	sld [smem:$0x3F92];
	_ =	swait.ge [sflag:s4], $0x0  }
0x19: {  	s7 =	sld [smem:$0x3F93]  }
0x1a: {  	s8 =	sadd.s32 $0xFFFFE003, lr  }
0x1b: {  	s9 =	sadd.s32 $0xFFFFFEF7, lr;
	s5 =	simm.s32 $0xFFFFFFFF;
	p2 =	slt.u32 s8, $0xFFFFF086  }
0x1c: {  	p1 =	slt.u32 s9, $0xF7A;
	s5 =	simm.s32 @!p2 $0x0  }
0x1d: {  	s5 =	simm.s32 @p1 $0x1;
	p0 =	seq.s32 s7, s2  }
0x1e: {  	s7 =	smul.u32 @!p0 $0xF7A, s2;
	p2 =	seq.s32 @!p0 s5, $0x0  }
0x1f: {  	s9 =	smul.u32 $0xF7A, s1;
	s8 =	simm.s32 @!p0 $0x1BF5;
	p2 =	por !p2, p0  }
0x20: {  	[sflag:s8] =	ssyncset.s32 @!p0 $0xFFFFF086;
	s6 =	sadd.s32 @!p0 s3, s7;
	s7 =	simm.s32 @!p0 $0x108  }
0x21: {  	s3 =	sadd.s32 s3, s9;
	s6 =	sadd.s32 @!p0 $0x88, s6;
	s7 =	simm.s32 @p2 $0x1082  }
0x22: {  	[simem:s7], [sflag:s8] =	dma.local @!p0 [hbm:s6], $0xF7A  }
0x23: {  	s9 =	sor.u32 $0xD0000000, s2;
	s6 =	simm.s32 $0x108;
	_ =	swait.ge @!p0 [sflag:s8], $0x0  }
0x24: {  	s3 =	sadd.s32 $0x88, s3;
	s6 =	simm.s32 @!p1 $0x1082;
	[sflag:s4] =	ssyncset.s32 $0xFFFFF086  }
0x25: {  	[simem:s6], [sflag:s4] =	dma.local [hbm:s3], $0xF7A  }
0x26: {  	[smem:$0x3F93] =	sst s1;
	(tag) =	ssettag s2;
	_ =	strace s9  }
0x27: {  	s1 =	sld [smem:$0x3FA3]  }
0x28: {  	s2 =	sld [smem:$0x3FA4]  }
0x29: {  	s4 =	sld [smem:$0x3FA6]  }
0x2a: {  	p0 =	seq.s32 s5, $0x0;
	s5 =	sld [smem:$0x3FA7]  }
0x2b: {  	s6 =	sld [smem:$0x3FA8]  }
0x2c: {  	s7 =	sld [smem:$0x3FA9]  }
0x2d: {  	s3 =	simm.s32 $0x108;
	s8 =	sld [smem:$0x3FAA]  }
0x2e: {  	s3 =	simm.s32 @!p0 $0x1082;
	s9 =	sld [smem:$0x3FAB]  }
0x2f: {  	lr =	sadd.s32 s0, s3;
	s0 =	sld [smem:$0x3FA2]  }
0x30: {  	s3 =	sld [smem:$0x3FA5]  }
0x31: {  	[smem:$0x3FAE] =	sst s10  }
0x32: {  	s10 =	sld [smem:$0x3FAC];
	_ =	sdelay $0x3  }
0x33: {  	p0 =	seq.s32 s10, $0x1;
	s10 =	sld [smem:$0x3FAE];
	_ =	sdelay $0x3  }
0x34: {  	[smem:$0x3FAE] =	sst s10  }
0x35: {  	s10 =	sld [smem:$0x3FAD];
	_ =	sdelay $0x3  }
0x36: {  	p1 =	seq.s32 s10, $0x1;
	s10 =	sld [smem:$0x3FAE];
	_ =	sdelay $0x3  }
0x37: {  	[smem:$0x3FAE] =	sst s10  }
0x38: {  	s10 =	sld [smem:$0x3FAF]  }
0x39: {  	_ = 	snop;
	(pc) =	sbr.ind lr, $3  }
0x3a: {  	_ = 	snop  }
0x3b: {  	_ = 	snop  }
0x3c: {  	p2 =	seq.s32 s10, $0x1;
	s10 =	sld [smem:$0x3FAE]  }
0x3d: {  	_ =	shalt  }
0x3e: {  	_ =	shalt  }
0x3f: {  	_ =	shalt  }
0x40: {  	_ =	shalt  }
0x41: {  	_ =	shalt  }
0x42: {  	_ =	shalt  }
0x43: {  	_ =	shalt  }
0x44: {  	_ =	shalt  }
0x45: {  	_ =	shalt  }
0x46: {  	_ =	shalt  }
0x47: {  	_ =	shalt  }
0x48: {  	_ =	shalt  }
0x49: {  	_ =	shalt  }
0x4a: {  	_ =	shalt  }
0x4b: {  	_ =	shalt  }
0x4c: {  	_ =	shalt  }
0x4d: {  	_ =	shalt  }
0x4e: {  	_ =	shalt  }
0x4f: {  	_ =	shalt  }
0x50: {  	_ =	shalt  }
0x51: {  	_ =	shalt  }
0x52: {  	_ =	shalt  }
0x53: {  	_ =	shalt  }
0x54: {  	_ =	shalt  }
0x55: {  	_ =	shalt  }
0x56: {  	_ =	shalt  }
0x57: {  	_ =	shalt  }
0x58: {  	_ =	shalt  }
0x59: {  	_ =	shalt  }
0x5a: {  	_ =	shalt  }
0x5b: {  	_ =	shalt  }
0x5c: {  	_ =	shalt  }
0x5d: {  	_ =	shalt  }
0x5e: {  	_ =	shalt  }
0x5f: {  	_ =	shalt  }
0x60: {  	_ =	shalt  }
0x61: {  	_ =	shalt  }
0x62: {  	_ =	shalt  }
0x63: {  	_ =	shalt  }
0x64: {  	_ =	shalt  }
0x65: {  	_ =	shalt  }
0x66: {  	_ =	shalt  }
0x67: {  	_ =	shalt  }
0x68: {  	_ =	shalt  }
0x69: {  	_ =	shalt  }
0x6a: {  	_ =	shalt  }
0x6b: {  	_ =	shalt  }
0x6c: {  	_ =	shalt  }
0x6d: {  	_ =	shalt  }
0x6e: {  	_ =	shalt  }
0x6f: {  	_ =	shalt  }
0x70: {  	_ =	shalt  }
0x71: {  	_ =	shalt  }
0x72: {  	_ =	shalt  }
0x73: {  	_ =	shalt  }
0x74: {  	_ =	shalt  }
0x75: {  	_ =	shalt  }
0x76: {  	_ =	shalt  }
0x77: {  	_ =	shalt  }
0x78: {  	_ =	shalt  }
0x79: {  	_ =	shalt  }
0x7a: {  	_ =	shalt  }
0x7b: {  	_ =	shalt  }
0x7c: {  	_ =	shalt  }
0x7d: {  	_ =	shalt  }
0x7e: {  	_ =	shalt  }
0x7f: {  	_ =	shalt  }
0x80: {  	_ =	shalt  }
0x81: {  	_ =	shalt  }
0x82: {  	_ =	shalt  }
0x83: {  	_ =	shalt  }
0x84: {  	_ =	shalt  }
0x85: {  	_ =	shalt  }
0x86: {  	_ =	shalt  }
0x87: {  	_ =	shalt  }
.Lfunc_end0:
.L_simem_size_0:
called_computation_lowered:
.L_overlay_start_0:
0x88: {  	s2 =	sld [smem:$0x3FD9]  }
0x89: {  	s3 =	sld [smem:$0x3FFE];
	_ =	sdelay $0x1  }
0x8a: {  	s1 =	srdreg.scid  }
0x8b: {  	s0 =	sand.u32 $0x1, s1  }
0x8c: {  	s17 =	sshll.u32 s0, $0xA;
	s2 =	sadd.s32 s3, s2  }
0x8d: {  	s2 =	sadd.s32 s2, s17  }
0x8e: {  	[smem:$0x3FBA] =	sst s2  }
0x8f: {  	_ = 	snop  }
0x90: {  	s2 =	sld [smem:$0x3FC9]  }
0x91: {  	s18 =	sld [smem:$0x3FD0];
	(tm) =	ssettm $0x1  }
0x92: {  	s4 =	sld [smem:$0x3FFB];
	_ =	sdelay $0x3  }
0x93: {  	_ =	strace s4  }
0x94: {  	s4 =	sld [smem:$0x3FFC];
	_ =	sdelay $0x3  }
0x95: {  	_ =	strace s4  }
0x96: {  	s4 =	sld [smem:$0x3FFD];
	_ =	sdelay $0x3  }
0x97: {  	_ =	strace s4  }
0x98: {  	_ =	strace $0x8FFFFFFF  }
0x99: {  	s19 =	sld [smem:$0x3FDB];
	_ =	sdelay $0x1  }
0x9a: {  	s5 =	simm.s32 $_scs_section_size  }
0x9b: {  	s6 =	simm.s32 $_size__tile_overlayer_lowered;
	s7 =	simm.s32 $_tile_overlayer_lowered  }
0x9c: {  	s22 =	simm.s32 $0x1BFF;
	s21 =	sshll.u32 s7, $0x1;
	s4 =	sadd.s32 s5, s19  }
0x9d: {  	s8 =	simm.s32 $0x0;
	s20 =	sshll.u32 s6, $0x1;
	s6 =	sadd.s32 s21, s4  }
0x9e: {  	[timem:s8], [sflag:s22] =	dma.local [hbm:s6], s20  }
0x9f: {  	_ =	swait.ge [sflag:s22], s20  }
0xa0: {  	s5 =	ssub.s32 $0x0, s20;
	[sflag:s22] =	ssyncset.done $0x0  }
0xa1: {  	[sflag:s22] =	ssyncadd.s32 s5;
	_ =	sdelay $0x1  }
0xa2: {  	s23 =	simm.s32 $0x1B8B  }
0xa3: {  	_ =	swait.ge [sflag:s23], $0x1  }
0xa4: {  	[sflag:s23] =	ssyncset.done $0x0  }
0xa5: {  	s25 =	simm.s32 $0x1B8E;
	s24 =	sld [smem:$0x3FFE];
	[sflag:s23] =	ssyncadd.s32 $0xFFFFFFFF  }
0xa6: {  	s26 =	simm.s32 $execute0_lowered;
	[smem:$0x3FD2] =	sst s25  }
0xa7: {  	s6 =	sshll.u32 s26, $0x1;
	_ =	strace $0x80000046;
	[dreg:$0x1] =	wrdreg $0xFFFFFFFF  }
0xa8: {  	s28 =	simm.s32 $_size_execute0_lowered;
	s4 =	sadd.s32 s4, s6;
	[dreg:$0x0] =	wrdreg $0x0  }
0xa9: {  	s6 =	sshll.u32 s28, $0x1;
	[dreg:$0x2] =	wrdreg s4  }
0xaa: {  	[dreg:$0x3] =	wrdreg s6  }
0xab: {  	[dreg:$0x4] =	wrdreg $0xC0  }
0xac: {  	_ =	task [dreg:s8], $0x5FFFF  }
0xad: {  	[dreg:$0x1] =	wrdreg $0xFFFFFFFF  }
0xae: {  	[dreg:$0x0] =	wrdreg $0x60  }
0xaf: {  	[dreg:$0x2] =	wrdreg s2  }
0xb0: {  	[dreg:$0x3] =	wrdreg s18  }
0xb1: {  	[dreg:$0x4] =	wrdreg s24  }
0xb2: {  	[dreg:$0x5] =	wrdreg $0x9  }
0xb3: {  	_ =	task.clear_ibuf [dreg:s8], $0x6FFFF;
	_ =	strace $0x90000046  }
0xb4: {  	s29 =	simm.s32 $0x9;
	_ =	strace $0x80000048  }
0xb5: {  	_ =	swait.ge [sflag:s29], $0x1  }
0xb6: {  	[sflag:s29] =	ssyncadd.s32 $0xFFFFFFFF  }
0xb7: {  	_ =	strace $0x90000048  }
0xb8: {  	_ =	sfence  }
0xb9: {  	s30 =	sld [smem:$0x0];
	_ =	sdelay $0x2  }
0xba: {  	s31 =	sshll.u32 s1, $0xD;
	s1 =	sshrl.u32 s1, $0x2  }
0xbb: {  	s3 =	sand.u32 $0x4000, s31;
	s1 =	sadd.s32 s1, s30  }
0xbc: {  	s0 =	sor.u32 s3, s0;
	s1 =	sshll.u32 s1, $0x11  }
0xbd: {  	s0 =	sor.u32 s1, s0  }
0xbe: {  	s0 =	sadd.s32 $0x8F2B, s0  }
0xbf: {  	[sflag:s0] =	ssyncadd.remote.s32 $0x1  }
0xc0: {  	_ =	sfence.sel $0xFFFF  }
0xc1: {  	[dreg:$0x0] =	wrdreg $0xFFFFFFFF;
	(pc) =	sbr.abs _section_cstart, $3  }
0xc2: {  	[dreg:$0x1] =	wrdreg $0xFFFFFFFF  }
0xc3: {  	_ =	task.clear_ibuf [dreg:s8], $0x2FFFF;
	_ =	strace $0x9FFFFFFF  }
0xc4: {  	(tm) =	ssettm $0x7FFFFFFF  }
0xc5: {  	_ =	shalt  }
tec
execute0_lowered:
.L_overlay_start_1:
0x0: {  	(tag) =	ssettag $0x1  }
0x1: {  	s2 =	rddreg [dreg:$0x0]  }
0x2: {  	s3 =	rddreg [dreg:$0x1]  }
0x3: {  	s0 =	rddreg [dreg:$0x2]  }
0x4: {  	s4 =	stileid.u32;
	s1 =	srdreg.scid;
	s16 =	simm.s32 $0x9  }
0x5: {  	s17 =	simm.s32 $0x1400;
	s18 =	simm.s32 $0x80;
	s19 =	simm.s32 $0x2800  }
0x6: {  	s20 =	simm.s32 $0xA800;
	s28 =	simm.s32 $0x6;
	s29 =	simm.s32 $0x3  }
0x7: {  	s30 =	simm.s32 $0x7;
	s31 =	simm.s32 $0x4;
	s7 =	smul.u32 $0x28, s4  }
0x8: {  	s1 =	sand.u32 $0x1, s1;
	s4 =	simm.s32 $0x0;
	s6 =	sadd.s32 $0x292E00, s0  }
0x9: {  	p0 =	seq.s32 s1, $0x0;
	s1 =	ssub.s32 $0x2, s1;
	s5 =	sadd.s32 $0x280, s7  }
0xa: {  	[smem:$0x7FF] =	sst s4;
	s9 =	sshrl.u32 s1, $0x1;
	s7 =	smov.u32 @p0 s5  }
0xb: {  	_ =	strace $0x80000047;
	s21 =	ssub.s32 s1, s9;
	s5 =	sshll.u32 s7, $0x4  }
0xc: {  	s7 =	sshll.u32 s7, $0xB;
	s14 =	smax.u32 s21, $0x1;
	s21 =	simm.s32 $0x6800  }
0xd: {  	s8 =	sadd.s32 s5, s0;
	s5 =	sadd.s32 $0x12E00, s0;
	s24 =	sadd.s32 $0x13000, s7  }
0xe: {  	s26 =	sadd.s32 $0x13800, s7;
	s15 =	sor.u32 $0x800, s7;
	s22 =	sadd.s32 $0xDE00, s8  }
0xf: {  	s0 =	simm.s32 $0x0;
	s23 =	sadd.s32 $0x8E00, s8;
	[dreg:$0x4] =	wrdreg s22  }
0x10: {  	s25 =	sadd.s32 s5, s24;
	s1 =	sadd.s32 s6, s24;
	[dreg:$0x5] =	wrdreg s23  }
0x11: {  	s12 =	sadd.s32 s5, s26;
	s13 =	sadd.s32 s6, s26;
	[dreg:$0x6] =	wrdreg s25  }
0x12: {  	s24 =	simm.s32 $0x1;
	s26 =	simm.s32 $0x2;
	[dreg:$0x7] =	wrdreg s1  }
0x13: {  	s23 =	simm.s32 $0xE800;
	s25 =	simm.s32 $0x5;
	s1 =	simm.s32 $0x8  }
.LBB2_1:
0x14: {  	s8 =	rddreg [dreg:$0x4]  }
0x15: {  	[tilespmem:s4], [sflag:$0x9] =	stream.linear.gather [hbm4b:s8+s4], $0x1400, $0x38;
	[tilespmem:$0x12800] =	vst v63  }
0x16: {  	_ =	swait.ge [sflag:s16], $0x1400  }
0x17: {  	[sflag:s16] =	ssyncset.done $0x0  }
0x18: {  	s22 =	rddreg [dreg:$0x5];
	[sflag:s16] =	ssyncadd.s32 $0xFFFFEC00  }
0x19: {  	[tilespmem:s17], [sflag:$0x9] =	stream.linear.gather [hbm4b:s22+s4], $0x1400, $0x38;
	[tilespmem:$0x12800] =	vst v63  }
0x1a: {  	_ =	swait.ge [sflag:s16], $0x1400  }
0x1b: {  	[sflag:s16] =	ssyncset.done $0x0  }
0x1c: {  	[sflag:s16] =	ssyncadd.s32 $0xFFFFEC00  }
0x1d: {  	[tilespmem:s19], [sflag:$0x1] =	stream.indirect.gather [hbm4b:s2+s18], $0x80, s4, s18, $0xb8;
	[tilespmem:$0x12800] =	vst v63  }
0x1e: {  	_ = 	snop  }
0x1f: {  	[tilespmem:s20], [sflag:$0x5] =	stream.indirect.gather [hbm4b:s3+s18], $0x80, s17, s18, $0xb8;
	[tilespmem:$0x12800] =	vst v63  }
0x20: {  	_ = 	snop  }
0x21: {  	[tilespmem:s21], [sflag:$0x2] =	stream.indirect.gather [hbm4b:s2+s18], $0x80, s18, s18, $0xb8;
	[tilespmem:$0x12800] =	vst v63  }
0x22: {  	s9 =	simm.s32 $0x1480  }
0x23: {  	[tilespmem:s23], [sflag:$0x6] =	stream.indirect.gather [hbm4b:s3+s18], $0x80, s9, s18, $0xb8;
	[tilespmem:$0x12800] =	vst v63  }
0x24: {  	_ =	swait.ge [sflag:s24], $0x4000  }
0x25: {  	[sflag:s24] =	ssyncset.done $0x0  }
0x26: {  	[sflag:s24] =	ssyncadd.s32 $0xFFFFC000  }
0x27: {  	_ =	swait.ge [sflag:s25], $0x4000  }
0x28: {  	[sflag:s25] =	ssyncset.done $0x0  }
0x29: {  	s10 =	sadd.s32 s5, s7;
	[sflag:s25] =	ssyncadd.s32 $0xFFFFC000  }
0x2a: {  	[hbm4b:s10+s4] =	stream.linear.scatter [tilespmem:s19], [sflag:$0x3], $0x4000, $0x38;
	[tilespmem:$0x12800] =	vst v63  }
0x2b: {  	s11 =	sadd.s32 s6, s7  }
0x2c: {  	[hbm4b:s11+s4] =	stream.linear.scatter [tilespmem:s20], [sflag:$0x7], $0x4000, $0x38;
	[tilespmem:$0x12800] =	vst v63  }
0x2d: {  	_ =	swait.ge [sflag:s26], $0x4000  }
0x2e: {  	[sflag:s26] =	ssyncset.done $0x0  }
0x2f: {  	[sflag:s26] =	ssyncadd.s32 $0xFFFFC000  }
0x30: {  	_ =	swait.ge [sflag:s28], $0x4000  }
0x31: {  	[sflag:s28] =	ssyncset.done $0x0  }
0x32: {  	s22 =	sadd.s32 s5, s15;
	[sflag:s28] =	ssyncadd.s32 $0xFFFFC000  }
0x33: {  	[hbm4b:s22+s4] =	stream.linear.scatter [tilespmem:s21], [sflag:$0x4], $0x4000, $0x38;
	[tilespmem:$0x12800] =	vst v63  }
0x34: {  	s9 =	sadd.s32 s6, s15  }
0x35: {  	[hbm4b:s9+s4] =	stream.linear.scatter [tilespmem:s23], [sflag:$0x8], $0x4000, $0x38;
	[tilespmem:$0x12800] =	vst v63  }
0x36: {  	_ =	swait.ge [sflag:s29], $0x4000  }
0x37: {  	[sflag:s29] =	ssyncset.done $0x0  }
0x38: {  	[sflag:s29] =	ssyncadd.s32 $0xFFFFC000  }
0x39: {  	_ =	swait.ge [sflag:s30], $0x4000  }
0x3a: {  	[sflag:s30] =	ssyncset.done $0x0  }
0x3b: {  	s10 =	simm.s32 $0x100;
	[sflag:s30] =	ssyncadd.s32 $0xFFFFC000  }
0x3c: {  	[tilespmem:s19], [sflag:$0x1] =	stream.indirect.gather [hbm4b:s2+s18], $0x80, s10, s18, $0xb8;
	[tilespmem:$0x12800] =	vst v63  }
0x3d: {  	s11 =	simm.s32 $0x1500  }
0x3e: {  	[tilespmem:s20], [sflag:$0x5] =	stream.indirect.gather [hbm4b:s3+s18], $0x80, s11, s18, $0xb8;
	[tilespmem:$0x12800] =	vst v63  }
0x3f: {  	_ =	swait.ge [sflag:s31], $0x4000  }
0x40: {  	[sflag:s31] =	ssyncset.done $0x0  }
0x41: {  	[sflag:s31] =	ssyncadd.s32 $0xFFFFC000  }
0x42: {  	_ =	swait.ge [sflag:s1], $0x4000  }
0x43: {  	[sflag:s1] =	ssyncset.done $0x0  }
0x44: {  	s8 =	sadd.s32 $0x1000, s6;
	s22 =	simm.s32 $0x180;
	[sflag:s1] =	ssyncadd.s32 $0xFFFFC000  }
0x45: {  	[tilespmem:s21], [sflag:$0x2] =	stream.indirect.gather [hbm4b:s2+s18], $0x80, s22, s18, $0xb8;
	[tilespmem:$0x12800] =	vst v63  }
0x46: {  	s9 =	sadd.s32 $0x1000, s5;
	s10 =	simm.s32 $0x1580;
	s22 =	simm.s32 $0x400  }
.LBB2_2:
0x47: {  	[tilespmem:s23], [sflag:$0x6] =	stream.indirect.gather [hbm4b:s3+s18], $0x80, s10, s18, $0xb8;
	[tilespmem:$0x12800] =	vst v63  }
0x48: {  	s10 =	smov.u32 s22  }
0x49: {  	p0 =	sne.s32 s22, $0x4800;
	s22 =	sadd.s32 $0x400, s22;
	_ =	swait.ge [sflag:s24], $0x4000  }
0x4a: {  	[sflag:s24] =	ssyncset.done $0x0  }
0x4b: {  	[sflag:s24] =	ssyncadd.s32 $0xFFFFC000  }
0x4c: {  	_ =	swait.ge [sflag:s25], $0x4000  }
0x4d: {  	[sflag:s25] =	ssyncset.done $0x0  }
0x4e: {  	s11 =	sadd.s32 s9, s7;
	[sflag:s25] =	ssyncadd.s32 $0xFFFFC000  }
0x4f: {  	[hbm4b:s11+s4] =	stream.linear.scatter [tilespmem:s19], [sflag:$0x3], $0x4000, $0x38;
	[tilespmem:$0x12800] =	vst v63  }
0x50: {  	s11 =	sadd.s32 s8, s7  }
0x51: {  	[hbm4b:s11+s4] =	stream.linear.scatter [tilespmem:s20], [sflag:$0x7], $0x4000, $0x38;
	[tilespmem:$0x12800] =	vst v63  }
0x52: {  	_ =	swait.ge [sflag:s26], $0x4000  }
0x53: {  	[sflag:s26] =	ssyncset.done $0x0  }
0x54: {  	[sflag:s26] =	ssyncadd.s32 $0xFFFFC000  }
0x55: {  	_ =	swait.ge [sflag:s28], $0x4000  }
0x56: {  	[sflag:s28] =	ssyncset.done $0x0  }
0x57: {  	s11 =	sadd.s32 s9, s15;
	[sflag:s28] =	ssyncadd.s32 $0xFFFFC000  }
0x58: {  	[hbm4b:s11+s4] =	stream.linear.scatter [tilespmem:s21], [sflag:$0x4], $0x4000, $0x38;
	[tilespmem:$0x12800] =	vst v63  }
0x59: {  	s11 =	sadd.s32 s8, s15  }
0x5a: {  	[hbm4b:s11+s4] =	stream.linear.scatter [tilespmem:s23], [sflag:$0x8], $0x4000, $0x38;
	[tilespmem:$0x12800] =	vst v63  }
0x5b: {  	_ =	swait.ge [sflag:s29], $0x4000  }
0x5c: {  	[sflag:s29] =	ssyncset.done $0x0  }
0x5d: {  	[sflag:s29] =	ssyncadd.s32 $0xFFFFC000  }
0x5e: {  	_ =	swait.ge [sflag:s30], $0x4000  }
0x5f: {  	s10 =	sshra.s32 s10, $0x2;
	[sflag:s30] =	ssyncset.done $0x0  }
0x60: {  	s11 =	sadd.s32 $0x100, s10;
	[sflag:s30] =	ssyncadd.s32 $0xFFFFC000  }
0x61: {  	[tilespmem:s19], [sflag:$0x1] =	stream.indirect.gather [hbm4b:s2+s18], $0x80, s11, s18, $0xb8;
	[tilespmem:$0x12800] =	vst v63  }
0x62: {  	s11 =	sadd.s32 $0x1500, s10  }
0x63: {  	[tilespmem:s20], [sflag:$0x5] =	stream.indirect.gather [hbm4b:s3+s18], $0x80, s11, s18, $0xb8;
	[tilespmem:$0x12800] =	vst v63  }
0x64: {  	_ =	swait.ge [sflag:s31], $0x4000  }
0x65: {  	[sflag:s31] =	ssyncset.done $0x0  }
0x66: {  	[sflag:s31] =	ssyncadd.s32 $0xFFFFC000  }
.Ltmp0:
0x67: {  	_ =	swait.ge [sflag:s1], $0x4000;
	(pc) =	sbr.rel @p0 .LBB2_2-.Ltmp0, $4  }
0x68: {  	[sflag:s1] =	ssyncset.done $0x0  }
0x69: {  	s11 =	sadd.s32 $0x180, s10;
	[sflag:s1] =	ssyncadd.s32 $0xFFFFC000  }
0x6a: {  	[tilespmem:s21], [sflag:$0x2] =	stream.indirect.gather [hbm4b:s2+s18], $0x80, s11, s18, $0xb8;
	[tilespmem:$0x12800] =	vst v63  }
0x6b: {  	s9 =	sadd.s32 $0x1000, s9;
	s8 =	sadd.s32 $0x1000, s8;
	s10 =	sadd.s32 $0x1580, s10  }
0x6c: {  	[tilespmem:s23], [sflag:$0x6] =	stream.indirect.gather [hbm4b:s3+s18], $0x80, s10, s18, $0xb8;
	[tilespmem:$0x12800] =	vst v63  }
0x6d: {  	_ =	swait.ge [sflag:s24], $0x4000  }
0x6e: {  	[sflag:s24] =	ssyncset.done $0x0  }
0x6f: {  	[sflag:s24] =	ssyncadd.s32 $0xFFFFC000  }
0x70: {  	_ =	swait.ge [sflag:s25], $0x4000  }
0x71: {  	[sflag:s25] =	ssyncset.done $0x0  }
0x72: {  	s8 =	rddreg [dreg:$0x6];
	[sflag:s25] =	ssyncadd.s32 $0xFFFFC000  }
0x73: {  	[hbm4b:s8+s4] =	stream.linear.scatter [tilespmem:s19], [sflag:$0x3], $0x4000, $0x38;
	[tilespmem:$0x12800] =	vst v63  }
0x74: {  	s22 =	rddreg [dreg:$0x7]  }
0x75: {  	[hbm4b:s22+s4] =	stream.linear.scatter [tilespmem:s20], [sflag:$0x7], $0x4000, $0x38;
	[tilespmem:$0x12800] =	vst v63  }
0x76: {  	_ =	swait.ge [sflag:s26], $0x4000  }
0x77: {  	[sflag:s26] =	ssyncset.done $0x0  }
0x78: {  	[sflag:s26] =	ssyncadd.s32 $0xFFFFC000  }
0x79: {  	_ =	swait.ge [sflag:s28], $0x4000  }
0x7a: {  	[sflag:s28] =	ssyncset.done $0x0  }
0x7b: {  	[sflag:s28] =	ssyncadd.s32 $0xFFFFC000  }
0x7c: {  	[hbm4b:s12+s4] =	stream.linear.scatter [tilespmem:s21], [sflag:$0x4], $0x4000, $0x38;
	[tilespmem:$0x12800] =	vst v63  }
0x7d: {  	_ = 	snop  }
0x7e: {  	[hbm4b:s13+s4] =	stream.linear.scatter [tilespmem:s23], [sflag:$0x8], $0x4000, $0x38;
	[tilespmem:$0x12800] =	vst v63  }
0x7f: {  	_ =	swait.ge [sflag:s29], $0x4000  }
0x80: {  	[sflag:s29] =	ssyncset.done $0x0  }
0x81: {  	[sflag:s29] =	ssyncadd.s32 $0xFFFFC000  }
0x82: {  	_ =	swait.ge [sflag:s30], $0x4000  }
0x83: {  	[sflag:s30] =	ssyncset.done $0x0  }
0x84: {  	s0 =	sadd.s32 $0x1, s0;
	[sflag:s30] =	ssyncadd.s32 $0xFFFFC000  }
0x85: {  	p0 =	sne.s32 s0, s14;
	_ =	swait.ge [sflag:s31], $0x4000  }
.Ltmp1:
0x86: {  	[sflag:s31] =	ssyncset.done $0x0;
	(pc) =	sbr.rel @p0 .LBB2_1-.Ltmp1, $4  }
0x87: {  	[sflag:s31] =	ssyncadd.s32 $0xFFFFC000  }
0x88: {  	_ =	swait.ge [sflag:s1], $0x4000  }
0x89: {  	[sflag:s1] =	ssyncset.done $0x0  }
0x8a: {  	[sflag:s1] =	ssyncadd.s32 $0xFFFFC000  }
0x8b: {  	_ =	sfence.sel $0x180000  }
0x8c: {  	[bflag:$0x0] =	sbarrier.arrive $0xFFFF  }
0x8d: {  	_ =	strace $0x90000047  }
0x8e: {  	s0 =	stileid.u32;
	[bflag:$0x2] =	sbarrier.arrive $0xFFFF  }
0x8f: {  	p0 =	sne.s32 s0, $0x0;
	s0 =	rddreg [dreg:$0x3]  }
0x90: {  	s0 =	sadd.s32 @!p0 $0x100000, s0  }
0x91: {  	[sflag:s0] =	ssyncadd.tile.s32 @!p0 $0x1;
	_ =	shalt  }
.Lfunc_end2:
_tile_overlayer_lowered:
.L_overlay_start_2:
0x92: {  	(tag) =	ssettag $0x2  }
0x93: {  	s0 =	rddreg [dreg:$0x0];
	s2 =	stileid.u32  }
0x94: {  	s1 =	rddreg [dreg:$0x1];
	p0 =	sne.s32 s2, $0x0  }
0x95: {  	s3 =	rddreg [dreg:$0x2];
	[bflag:$0x3] =	sbarrier.arrive $0xFFFF;
	s2 =	simm.s32 @!p0 $0x1C09  }
0x96: {  	[timem:s3], [sflag:s2] =	dma.local @!p0 [hbm:s0], s1  }
0x97: {  	s0 =	simm.s32 @!p0 $0x9  }
0x98: {  	_ =	swait.ge @!p0 [sflag:s0], s1  }
0x99: {  	s1 =	ssub.s32 @!p0 $0x0, s1;
	[sflag:s0] =	ssyncset.done @!p0 $0x0  }
0x9a: {  	[sflag:s0] =	ssyncadd.s32 @!p0 s1  }
0x9b: {  	[bflag:$0x3] =	sbarrier.arrive $0xFFFF  }
0x9c: {  	_ =	shalt  }

</sc_bundles>
